<compile_context>
chip_gen: v7x
topology: tpu7x:2x2x1
jax: 0.10.2.dev20260603
libtpu: 0.0.44.dev20260713+nightly
codegen_flags: <defaults>
</compile_context>

<pallas_src>
import functools

import jax
import jax.numpy as jnp
from jax import lax
from jax.experimental import pallas as pl
from jax.experimental.pallas import tpu as pltpu, tpu_sc as plsc


def _make_gather(V, D, B):
  info = plsc.get_sparse_core_info()
  NC, NS = info.num_cores, info.num_subcores
  NW = NC * NS
  assert B % NW == 0
  b_per_w = B // NW
  C = 200
  NBUF = 3
  NBUF_S = 2
  K = 2
  assert b_per_w % C == 0
  n_chunks = b_per_w // C
  UNROLL = 6
  n_rounds = n_chunks // UNROLL
  n_tail = n_chunks % UNROLL

  mesh = plsc.VectorSubcoreMesh(core_axis_name="c", subcore_axis_name="s")

  scratch = ([pltpu.VMEM((C,), jnp.int32)] * NBUF
             + [pltpu.VMEM((C, D), jnp.float32)] * NBUF
             + [pltpu.VMEM_SHARED((NS, NBUF_S, C, D), jnp.float32)]
             + [pltpu.SemaphoreType.DMA] * (NBUF + 2 * NBUF_S))

  @functools.partial(
      pl.kernel,
      mesh=mesh,
      out_type=jax.ShapeDtypeStruct((B, D), jnp.float32),
      scratch_types=scratch,
  )
  def k(table_hbm, idx_hbm, out_hbm, *scr):
    idx_v = scr[:NBUF]
    rows_v = scr[NBUF:2 * NBUF]
    rows_s = scr[2 * NBUF]
    gsem = scr[2 * NBUF + 1:3 * NBUF + 1]
    c1sem = scr[3 * NBUF + 1:3 * NBUF + 1 + NBUF_S]
    c2sem = scr[3 * NBUF + 1 + NBUF_S:3 * NBUF + 1 + 2 * NBUF_S]
    cid = lax.axis_index("c")
    sid = lax.axis_index("s")
    wid = sid * NC + cid
    base = wid * b_per_w

    def sbuf(bs):
      return rows_s.at[sid, bs]

    def fire_gather(b, j):
      off = base + j * C
      pltpu.sync_copy(idx_hbm.at[pl.ds(off, C)], idx_v[b])
      pltpu.async_copy(table_hbm.at[idx_v[b]], rows_v[b], gsem[b])

    def wait_gather(b):
      pltpu.make_async_copy(table_hbm.at[idx_v[b]], rows_v[b],
                            gsem[b]).wait()

    def fire_copy1(b, bs):
      pltpu.async_copy(rows_v[b], sbuf(bs), c1sem[bs])

    def wait_copy1(b, bs):
      pltpu.make_async_copy(rows_v[b], sbuf(bs), c1sem[bs]).wait()

    def fire_copy2(bs, j):
      pltpu.async_copy(sbuf(bs), out_hbm.at[pl.ds(base + j * C, C)],
                       c2sem[bs])

    def wait_copy2(bs):
      pltpu.make_async_copy(sbuf(bs), out_hbm.at[pl.ds(0, C)],
                            c2sem[bs]).wait()

    for j in range(K):
      fire_gather(j, j)

    def step(j, b, bs):
      bm = (b - 1) % NBUF
      bsm = (bs - 1) % NBUF_S

      @pl.when(j >= 1)
      def _():
        wait_copy1(bm, bsm)

      @pl.when(j + K < n_chunks)
      def _():
        fire_gather((b + K) % NBUF, j + K)

      @pl.when(j >= 1)
      def _():
        fire_copy2(bsm, j - 1)

      @pl.when(j >= NBUF_S)
      def _():
        wait_copy2(bs)

      wait_gather(b)
      fire_copy1(b, bs)

    def round_body(i, carry):
      for u in range(UNROLL):
        step(i * UNROLL + u, u % NBUF, u % NBUF_S)
      return carry

    lax.fori_loop(0, n_rounds, round_body, 0)

    for t in range(n_tail):
      j = n_rounds * UNROLL + t
      step(j, j % NBUF, j % NBUF_S)

    last = n_chunks - 1
    lb = last % NBUF
    lbs = last % NBUF_S
    wait_copy1(lb, lbs)
    fire_copy2(lbs, last)
    for m in range(NBUF_S):
      wait_copy2((lbs - m) % NBUF_S)

  return k


def kernel(x, index):
  V, D = x.shape
  B = index.shape[0]
  return _make_gather(V, D, B)(x, index.astype(jnp.int32))

# --- scband reference (transcript-rebuilt; emitter-appended) ---
"""Pipeline reference for scband-my-model-61933428409209 (READ-ONLY COPY).

The authoritative reference and input builder live on the scoring server;
editing this copy changes nothing except your own understanding.
"""

import jax, jax.numpy as jnp
import numpy as np


def setup_inputs(seed: int = 0) -> dict:
    key = jax.random.key(seed)
    k_x, k_idx = jax.random.split(key)
    x = jax.random.normal(k_x, (100000, 128), dtype=jnp.float32)
    # module buffer: np.random.randint(INDEX - 1, size=INDEX * 8) -> values in [0, 99999)
    index = jax.random.randint(k_idx, (800000,), 0, 99999, dtype=jnp.int64 if jax.config.jax_enable_x64 else jnp.int32)
    return {"x": x, "index": index}


def reference(x, index):
    # torch x.index_select(0, index) == gather rows
    return jnp.take(x, index, axis=0)

if __name__ == "__main__":
    import jax
    _d = setup_inputs()
    print(jax.jit(kernel)(*tuple(_d.values())))

</pallas_src>

<mosaic_0001>
#map = affine_map<(d0, d1) -> (0, 0)>
#map1 = affine_map<(d0, d1) -> (0)>
module attributes {stable_mosaic.version = 14 : i64} {
  func.func @k(%arg0: i32, %arg1: i32, %arg2: memref<100000x128xf32, #tpu.memory_space<hbm>>, %arg3: memref<800000xi32, #tpu.memory_space<hbm>>, %arg4: memref<800000x128xf32, #tpu.memory_space<hbm>>, %arg5: memref<200xi32, #tpu.memory_space<vmem>>, %arg6: memref<200xi32, #tpu.memory_space<vmem>>, %arg7: memref<200xi32, #tpu.memory_space<vmem>>, %arg8: memref<200x128xf32, #tpu.memory_space<vmem>>, %arg9: memref<200x128xf32, #tpu.memory_space<vmem>>, %arg10: memref<200x128xf32, #tpu.memory_space<vmem>>, %arg11: memref<16x2x200x128xf32, #tpu.memory_space<vmem_shared>>, %arg12: memref<!tpu.dma_semaphore, #tpu.memory_space<semaphore_mem>>, %arg13: memref<!tpu.dma_semaphore, #tpu.memory_space<semaphore_mem>>, %arg14: memref<!tpu.dma_semaphore, #tpu.memory_space<semaphore_mem>>, %arg15: memref<!tpu.dma_semaphore, #tpu.memory_space<semaphore_mem>>, %arg16: memref<!tpu.dma_semaphore, #tpu.memory_space<semaphore_mem>>, %arg17: memref<!tpu.dma_semaphore, #tpu.memory_space<semaphore_mem>>, %arg18: memref<!tpu.dma_semaphore, #tpu.memory_space<semaphore_mem>>) attributes {dimension_semantics = [#tpu.dimension_semantics<core_parallel>, #tpu.dimension_semantics<subcore_parallel>], iteration_bounds = array<i64: 2, 16>, scalar_prefetch = 0 : i64, scratch_operands = 14 : i64, tpu.core_type = #tpu.core_type<sc_vector_subcore>, window_params = [{transform_indices = #map}, {transform_indices = #map1}, {transform_indices = #map}]} {
    %mul3A = arith.constant 2 : i32
    %mul3A_0 = arith.muli %arg1, %mul3A : i32
    %add3A = arith.addi %mul3A_0, %arg0 : i32
    %mul3A_1 = arith.constant 25000 : i32
    %mul3A_2 = arith.muli %add3A, %mul3A_1 : i32
    %add3A_3 = arith.constant 0 : i32
    %add3A_4 = arith.addi %mul3A_2, %add3A_3 : i32
    "tpu.region"() ({
      %run_scoped3A = tpu.sem_alloc : memref<!tpu.dma_semaphore, #tpu.memory_space<semaphore_mem>>
      %dma_start3A_255 = tpu.memref_slice %arg3[%add3A_4] : memref<800000xi32, #tpu.memory_space<hbm>> -> memref<200xi32, #tpu.memory_space<hbm>>
      %dma_start3A_256 = tpu.memref_slice %arg3[%add3A_4] : memref<800000xi32, #tpu.memory_space<hbm>> -> memref<200xi32, #tpu.memory_space<hbm>>
      tpu.enqueue_dma source(%dma_start3A_256 : memref<200xi32, #tpu.memory_space<hbm>>) target(%arg5 : memref<200xi32, #tpu.memory_space<vmem>>) target_semaphore(%run_scoped3A : memref<!tpu.dma_semaphore, #tpu.memory_space<semaphore_mem>>)
      %dma_wait3A_257 = tpu.memref_slice %arg3[%add3A_4] : memref<800000xi32, #tpu.memory_space<hbm>> -> memref<200xi32, #tpu.memory_space<hbm>>
      %dma_wait3A_258 = tpu.memref_slice %arg3[%add3A_4] : memref<800000xi32, #tpu.memory_space<hbm>> -> memref<200xi32, #tpu.memory_space<hbm>>
      tpu.wait_dma2 semaphore(%run_scoped3A : memref<!tpu.dma_semaphore, #tpu.memory_space<semaphore_mem>>) src(%dma_wait3A_258 : memref<200xi32, #tpu.memory_space<hbm>>) dst(%arg5 : memref<200xi32, #tpu.memory_space<vmem>>)
      tpu.yield
    }) : () -> ()
    %dma_start3A = arith.constant 0 : i32
    %dma_start3A_5 = arith.constant 0 : i32
    %dma_start3A_6 = tpu.memref_slice %arg2[%dma_start3A, %dma_start3A_5] : memref<100000x128xf32, #tpu.memory_space<hbm>> -> memref<100000x128xf32, #tpu.memory_space<hbm>>
    tpu.enqueue_indirect_dma source(%dma_start3A_6 : memref<100000x128xf32, #tpu.memory_space<hbm>>) target(%arg8 : memref<200x128xf32, #tpu.memory_space<vmem>>) offsets(%arg5 : memref<200xi32, #tpu.memory_space<vmem>>) semaphore(%arg12 : memref<!tpu.dma_semaphore, #tpu.memory_space<semaphore_mem>>)
    %add3A_7 = arith.constant 200 : i32
    %add3A_8 = arith.addi %mul3A_2, %add3A_7 : i32
    "tpu.region"() ({
      %run_scoped3A = tpu.sem_alloc : memref<!tpu.dma_semaphore, #tpu.memory_space<semaphore_mem>>
      %dma_start3A_255 = tpu.memref_slice %arg3[%add3A_8] : memref<800000xi32, #tpu.memory_space<hbm>> -> memref<200xi32, #tpu.memory_space<hbm>>
      %dma_start3A_256 = tpu.memref_slice %arg3[%add3A_8] : memref<800000xi32, #tpu.memory_space<hbm>> -> memref<200xi32, #tpu.memory_space<hbm>>
      tpu.enqueue_dma source(%dma_start3A_256 : memref<200xi32, #tpu.memory_space<hbm>>) target(%arg6 : memref<200xi32, #tpu.memory_space<vmem>>) target_semaphore(%run_scoped3A : memref<!tpu.dma_semaphore, #tpu.memory_space<semaphore_mem>>)
      %dma_wait3A_257 = tpu.memref_slice %arg3[%add3A_8] : memref<800000xi32, #tpu.memory_space<hbm>> -> memref<200xi32, #tpu.memory_space<hbm>>
      %dma_wait3A_258 = tpu.memref_slice %arg3[%add3A_8] : memref<800000xi32, #tpu.memory_space<hbm>> -> memref<200xi32, #tpu.memory_space<hbm>>
      tpu.wait_dma2 semaphore(%run_scoped3A : memref<!tpu.dma_semaphore, #tpu.memory_space<semaphore_mem>>) src(%dma_wait3A_258 : memref<200xi32, #tpu.memory_space<hbm>>) dst(%arg6 : memref<200xi32, #tpu.memory_space<vmem>>)
      tpu.yield
    }) : () -> ()
    %dma_start3A_9 = arith.constant 0 : i32
    %dma_start3A_10 = arith.constant 0 : i32
    %dma_start3A_11 = tpu.memref_slice %arg2[%dma_start3A_9, %dma_start3A_10] : memref<100000x128xf32, #tpu.memory_space<hbm>> -> memref<100000x128xf32, #tpu.memory_space<hbm>>
    tpu.enqueue_indirect_dma source(%dma_start3A_11 : memref<100000x128xf32, #tpu.memory_space<hbm>>) target(%arg9 : memref<200x128xf32, #tpu.memory_space<vmem>>) offsets(%arg6 : memref<200xi32, #tpu.memory_space<vmem>>) semaphore(%arg13 : memref<!tpu.dma_semaphore, #tpu.memory_space<semaphore_mem>>)
    %scan3A = arith.constant 0 : i32
    %scan3A_12 = arith.constant 0 : i32
    %scan3A_13 = arith.constant 20 : i32
    %scan3A_14 = arith.addi %scan3A_12, %scan3A_13 : i32
    %scan3A_15 = arith.constant 1 : i32
    scf.for %scan3A_255 = %scan3A_12 to %scan3A_14 step %scan3A_15  : i32 {
      %mul3A_256 = arith.constant 6 : i32
      %mul3A_257 = arith.muli %scan3A_255, %mul3A_256 : i32
      %add3A_258 = arith.constant 0 : i32
      %add3A_259 = arith.addi %mul3A_257, %add3A_258 : i32
      %ge3A = arith.constant 1 : i32
      %ge3A_260 = arith.cmpi sge, %add3A_259, %ge3A : i32
      %convert_element_type3A = arith.extui %ge3A_260 : i1 to i32
      %cond3A = arith.constant 0 : i32
      %cond3A_261 = arith.cmpi ne, %convert_element_type3A, %cond3A : i32
      scf.if %cond3A_261 {
        %dma_wait3A_480 = arith.constant 1 : i32
        %dma_wait3A_481 = arith.constant 0 : i32
        %dma_wait3A_482 = arith.constant 0 : i32
        %dma_wait3A_483 = tpu.memref_slice %arg11[%arg1, %dma_wait3A_480, %dma_wait3A_481, %dma_wait3A_482] : memref<16x2x200x128xf32, #tpu.memory_space<vmem_shared>> -> memref<1x1x200x128xf32, #tpu.memory_space<vmem_shared>>
        %dma_wait3A_484 = tpu.memref_squeeze %dma_wait3A_483 : memref<1x1x200x128xf32, #tpu.memory_space<vmem_shared>> -> memref<200x128xf32, #tpu.memory_space<vmem_shared>>
        %dma_wait3A_485 = arith.constant 0 : i32
        %dma_wait3A_486 = arith.constant 0 : i32
        %dma_wait3A_487 = tpu.memref_slice %arg11[%arg1, %dma_wait3A_480, %dma_wait3A_485, %dma_wait3A_486] : memref<16x2x200x128xf32, #tpu.memory_space<vmem_shared>> -> memref<1x1x200x128xf32, #tpu.memory_space<vmem_shared>>
        %dma_wait3A_488 = tpu.memref_squeeze %dma_wait3A_487 : memref<1x1x200x128xf32, #tpu.memory_space<vmem_shared>> -> memref<200x128xf32, #tpu.memory_space<vmem_shared>>
        tpu.wait_dma2 semaphore(%arg16 : memref<!tpu.dma_semaphore, #tpu.memory_space<semaphore_mem>>) src(%arg10 : memref<200x128xf32, #tpu.memory_space<vmem>>) dst(%dma_wait3A_488 : memref<200x128xf32, #tpu.memory_space<vmem_shared>>)
      } else {
      }
      %add3A_262 = arith.constant 2 : i32
      %add3A_263 = arith.addi %add3A_259, %add3A_262 : i32
      %lt3A = arith.constant 125 : i32
      %lt3A_264 = arith.cmpi slt, %add3A_263, %lt3A : i32
      %convert_element_type3A_265 = arith.extui %lt3A_264 : i1 to i32
      %cond3A_266 = arith.constant 0 : i32
      %cond3A_267 = arith.cmpi ne, %convert_element_type3A_265, %cond3A_266 : i32
      scf.if %cond3A_267 {
        %add3A_480 = arith.constant 2 : i32
        %add3A_481 = arith.addi %add3A_259, %add3A_480 : i32
        %mul3A_482 = arith.constant 200 : i32
        %mul3A_483 = arith.muli %add3A_481, %mul3A_482 : i32
        %add3A_484 = arith.addi %mul3A_2, %mul3A_483 : i32
        "tpu.region"() ({
          %run_scoped3A = tpu.sem_alloc : memref<!tpu.dma_semaphore, #tpu.memory_space<semaphore_mem>>
          %dma_start3A_488 = tpu.memref_slice %arg3[%add3A_484] : memref<800000xi32, #tpu.memory_space<hbm>> -> memref<200xi32, #tpu.memory_space<hbm>>
          %dma_start3A_489 = tpu.memref_slice %arg3[%add3A_484] : memref<800000xi32, #tpu.memory_space<hbm>> -> memref<200xi32, #tpu.memory_space<hbm>>
          tpu.enqueue_dma source(%dma_start3A_489 : memref<200xi32, #tpu.memory_space<hbm>>) target(%arg7 : memref<200xi32, #tpu.memory_space<vmem>>) target_semaphore(%run_scoped3A : memref<!tpu.dma_semaphore, #tpu.memory_space<semaphore_mem>>)
          %dma_wait3A_490 = tpu.memref_slice %arg3[%add3A_484] : memref<800000xi32, #tpu.memory_space<hbm>> -> memref<200xi32, #tpu.memory_space<hbm>>
          %dma_wait3A_491 = tpu.memref_slice %arg3[%add3A_484] : memref<800000xi32, #tpu.memory_space<hbm>> -> memref<200xi32, #tpu.memory_space<hbm>>
          tpu.wait_dma2 semaphore(%run_scoped3A : memref<!tpu.dma_semaphore, #tpu.memory_space<semaphore_mem>>) src(%dma_wait3A_491 : memref<200xi32, #tpu.memory_space<hbm>>) dst(%arg7 : memref<200xi32, #tpu.memory_space<vmem>>)
          tpu.yield
        }) : () -> ()
        %dma_start3A_485 = arith.constant 0 : i32
        %dma_start3A_486 = arith.constant 0 : i32
        %dma_start3A_487 = tpu.memref_slice %arg2[%dma_start3A_485, %dma_start3A_486] : memref<100000x128xf32, #tpu.memory_space<hbm>> -> memref<100000x128xf32, #tpu.memory_space<hbm>>
        tpu.enqueue_indirect_dma source(%dma_start3A_487 : memref<100000x128xf32, #tpu.memory_space<hbm>>) target(%arg10 : memref<200x128xf32, #tpu.memory_space<vmem>>) offsets(%arg7 : memref<200xi32, #tpu.memory_space<vmem>>) semaphore(%arg14 : memref<!tpu.dma_semaphore, #tpu.memory_space<semaphore_mem>>)
      } else {
      }
      %ge3A_268 = arith.constant 1 : i32
      %ge3A_269 = arith.cmpi sge, %add3A_259, %ge3A_268 : i32
      %convert_element_type3A_270 = arith.extui %ge3A_269 : i1 to i32
      %cond3A_271 = arith.constant 0 : i32
      %cond3A_272 = arith.cmpi ne, %convert_element_type3A_270, %cond3A_271 : i32
      scf.if %cond3A_272 {
        %sub3A = arith.constant 1 : i32
        %sub3A_480 = arith.subi %add3A_259, %sub3A : i32
        %mul3A_481 = arith.constant 200 : i32
        %mul3A_482 = arith.muli %sub3A_480, %mul3A_481 : i32
        %add3A_483 = arith.addi %mul3A_2, %mul3A_482 : i32
        %dma_start3A_484 = arith.constant 1 : i32
        %dma_start3A_485 = arith.constant 0 : i32
        %dma_start3A_486 = tpu.memref_slice %arg4[%add3A_483, %dma_start3A_485] : memref<800000x128xf32, #tpu.memory_space<hbm>> -> memref<200x128xf32, #tpu.memory_space<hbm>>
        %dma_start3A_487 = arith.constant 0 : i32
        %dma_start3A_488 = arith.constant 0 : i32
        %dma_start3A_489 = tpu.memref_slice %arg11[%arg1, %dma_start3A_484, %dma_start3A_487, %dma_start3A_488] : memref<16x2x200x128xf32, #tpu.memory_space<vmem_shared>> -> memref<1x1x200x128xf32, #tpu.memory_space<vmem_shared>>
        %dma_start3A_490 = tpu.memref_squeeze %dma_start3A_489 : memref<1x1x200x128xf32, #tpu.memory_space<vmem_shared>> -> memref<200x128xf32, #tpu.memory_space<vmem_shared>>
        tpu.enqueue_dma source(%dma_start3A_490 : memref<200x128xf32, #tpu.memory_space<vmem_shared>>) target(%dma_start3A_486 : memref<200x128xf32, #tpu.memory_space<hbm>>) target_semaphore(%arg18 : memref<!tpu.dma_semaphore, #tpu.memory_space<semaphore_mem>>)
      } else {
      }
      %ge3A_273 = arith.constant 2 : i32
      %ge3A_274 = arith.cmpi sge, %add3A_259, %ge3A_273 : i32
      %convert_element_type3A_275 = arith.extui %ge3A_274 : i1 to i32
      %cond3A_276 = arith.constant 0 : i32
      %cond3A_277 = arith.cmpi ne, %convert_element_type3A_275, %cond3A_276 : i32
      scf.if %cond3A_277 {
        %dma_wait3A_480 = arith.constant 0 : i32
        %dma_wait3A_481 = arith.constant 0 : i32
        %dma_wait3A_482 = arith.constant 0 : i32
        %dma_wait3A_483 = tpu.memref_slice %arg4[%dma_wait3A_481, %dma_wait3A_482] : memref<800000x128xf32, #tpu.memory_space<hbm>> -> memref<200x128xf32, #tpu.memory_space<hbm>>
        %dma_wait3A_484 = arith.constant 0 : i32
        %dma_wait3A_485 = arith.constant 0 : i32
        %dma_wait3A_486 = tpu.memref_slice %arg11[%arg1, %dma_wait3A_480, %dma_wait3A_484, %dma_wait3A_485] : memref<16x2x200x128xf32, #tpu.memory_space<vmem_shared>> -> memref<1x1x200x128xf32, #tpu.memory_space<vmem_shared>>
        %dma_wait3A_487 = tpu.memref_squeeze %dma_wait3A_486 : memref<1x1x200x128xf32, #tpu.memory_space<vmem_shared>> -> memref<200x128xf32, #tpu.memory_space<vmem_shared>>
        tpu.wait_dma2 semaphore(%arg17 : memref<!tpu.dma_semaphore, #tpu.memory_space<semaphore_mem>>) src(%dma_wait3A_487 : memref<200x128xf32, #tpu.memory_space<vmem_shared>>) dst(%dma_wait3A_483 : memref<200x128xf32, #tpu.memory_space<hbm>>)
      } else {
      }
      %dma_wait3A_278 = arith.constant 0 : i32
      %dma_wait3A_279 = arith.constant 0 : i32
      %dma_wait3A_280 = tpu.memref_slice %arg2[%dma_wait3A_278, %dma_wait3A_279] : memref<100000x128xf32, #tpu.memory_space<hbm>> -> memref<100000x128xf32, #tpu.memory_space<hbm>>
      tpu.wait_indirect_dma semaphore(%arg12 : memref<!tpu.dma_semaphore, #tpu.memory_space<semaphore_mem>>) src(%dma_wait3A_280 : memref<100000x128xf32, #tpu.memory_space<hbm>>) dst(%arg8 : memref<200x128xf32, #tpu.memory_space<vmem>>)
      %dma_start3A_281 = arith.constant 0 : i32
      %dma_start3A_282 = arith.constant 0 : i32
      %dma_start3A_283 = arith.constant 0 : i32
      %dma_start3A_284 = tpu.memref_slice %arg11[%arg1, %dma_start3A_281, %dma_start3A_282, %dma_start3A_283] : memref<16x2x200x128xf32, #tpu.memory_space<vmem_shared>> -> memref<1x1x200x128xf32, #tpu.memory_space<vmem_shared>>
      %dma_start3A_285 = tpu.memref_squeeze %dma_start3A_284 : memref<1x1x200x128xf32, #tpu.memory_space<vmem_shared>> -> memref<200x128xf32, #tpu.memory_space<vmem_shared>>
      %dma_start3A_286 = arith.constant 0 : i32
      %dma_start3A_287 = arith.constant 0 : i32
      %dma_start3A_288 = tpu.memref_slice %arg11[%arg1, %dma_start3A_281, %dma_start3A_286, %dma_start3A_287] : memref<16x2x200x128xf32, #tpu.memory_space<vmem_shared>> -> memref<1x1x200x128xf32, #tpu.memory_space<vmem_shared>>
      %dma_start3A_289 = tpu.memref_squeeze %dma_start3A_288 : memref<1x1x200x128xf32, #tpu.memory_space<vmem_shared>> -> memref<200x128xf32, #tpu.memory_space<vmem_shared>>
      tpu.enqueue_dma source(%arg8 : memref<200x128xf32, #tpu.memory_space<vmem>>) target(%dma_start3A_289 : memref<200x128xf32, #tpu.memory_space<vmem_shared>>) target_semaphore(%arg15 : memref<!tpu.dma_semaphore, #tpu.memory_space<semaphore_mem>>)
      %mul3A_290 = arith.constant 6 : i32
      %mul3A_291 = arith.muli %scan3A_255, %mul3A_290 : i32
      %add3A_292 = arith.constant 1 : i32
      %add3A_293 = arith.addi %mul3A_291, %add3A_292 : i32
      %ge3A_294 = arith.constant 1 : i32
      %ge3A_295 = arith.cmpi sge, %add3A_293, %ge3A_294 : i32
      %convert_element_type3A_296 = arith.extui %ge3A_295 : i1 to i32
      %cond3A_297 = arith.constant 0 : i32
      %cond3A_298 = arith.cmpi ne, %convert_element_type3A_296, %cond3A_297 : i32
      scf.if %cond3A_298 {
        %dma_wait3A_480 = arith.constant 0 : i32
        %dma_wait3A_481 = arith.constant 0 : i32
        %dma_wait3A_482 = arith.constant 0 : i32
        %dma_wait3A_483 = tpu.memref_slice %arg11[%arg1, %dma_wait3A_480, %dma_wait3A_481, %dma_wait3A_482] : memref<16x2x200x128xf32, #tpu.memory_space<vmem_shared>> -> memref<1x1x200x128xf32, #tpu.memory_space<vmem_shared>>
        %dma_wait3A_484 = tpu.memref_squeeze %dma_wait3A_483 : memref<1x1x200x128xf32, #tpu.memory_space<vmem_shared>> -> memref<200x128xf32, #tpu.memory_space<vmem_shared>>
        %dma_wait3A_485 = arith.constant 0 : i32
        %dma_wait3A_486 = arith.constant 0 : i32
        %dma_wait3A_487 = tpu.memref_slice %arg11[%arg1, %dma_wait3A_480, %dma_wait3A_485, %dma_wait3A_486] : memref<16x2x200x128xf32, #tpu.memory_space<vmem_shared>> -> memref<1x1x200x128xf32, #tpu.memory_space<vmem_shared>>
        %dma_wait3A_488 = tpu.memref_squeeze %dma_wait3A_487 : memref<1x1x200x128xf32, #tpu.memory_space<vmem_shared>> -> memref<200x128xf32, #tpu.memory_space<vmem_shared>>
        tpu.wait_dma2 semaphore(%arg15 : memref<!tpu.dma_semaphore, #tpu.memory_space<semaphore_mem>>) src(%arg8 : memref<200x128xf32, #tpu.memory_space<vmem>>) dst(%dma_wait3A_488 : memref<200x128xf32, #tpu.memory_space<vmem_shared>>)
      } else {
      }
      %add3A_299 = arith.constant 2 : i32
      %add3A_300 = arith.addi %add3A_293, %add3A_299 : i32
      %lt3A_301 = arith.constant 125 : i32
      %lt3A_302 = arith.cmpi slt, %add3A_300, %lt3A_301 : i32
      %convert_element_type3A_303 = arith.extui %lt3A_302 : i1 to i32
      %cond3A_304 = arith.constant 0 : i32
      %cond3A_305 = arith.cmpi ne, %convert_element_type3A_303, %cond3A_304 : i32
      scf.if %cond3A_305 {
        %add3A_480 = arith.constant 2 : i32
        %add3A_481 = arith.addi %add3A_293, %add3A_480 : i32
        %mul3A_482 = arith.constant 200 : i32
        %mul3A_483 = arith.muli %add3A_481, %mul3A_482 : i32
        %add3A_484 = arith.addi %mul3A_2, %mul3A_483 : i32
        "tpu.region"() ({
          %run_scoped3A = tpu.sem_alloc : memref<!tpu.dma_semaphore, #tpu.memory_space<semaphore_mem>>
          %dma_start3A_488 = tpu.memref_slice %arg3[%add3A_484] : memref<800000xi32, #tpu.memory_space<hbm>> -> memref<200xi32, #tpu.memory_space<hbm>>
          %dma_start3A_489 = tpu.memref_slice %arg3[%add3A_484] : memref<800000xi32, #tpu.memory_space<hbm>> -> memref<200xi32, #tpu.memory_space<hbm>>
          tpu.enqueue_dma source(%dma_start3A_489 : memref<200xi32, #tpu.memory_space<hbm>>) target(%arg5 : memref<200xi32, #tpu.memory_space<vmem>>) target_semaphore(%run_scoped3A : memref<!tpu.dma_semaphore, #tpu.memory_space<semaphore_mem>>)
          %dma_wait3A_490 = tpu.memref_slice %arg3[%add3A_484] : memref<800000xi32, #tpu.memory_space<hbm>> -> memref<200xi32, #tpu.memory_space<hbm>>
          %dma_wait3A_491 = tpu.memref_slice %arg3[%add3A_484] : memref<800000xi32, #tpu.memory_space<hbm>> -> memref<200xi32, #tpu.memory_space<hbm>>
          tpu.wait_dma2 semaphore(%run_scoped3A : memref<!tpu.dma_semaphore, #tpu.memory_space<semaphore_mem>>) src(%dma_wait3A_491 : memref<200xi32, #tpu.memory_space<hbm>>) dst(%arg5 : memref<200xi32, #tpu.memory_space<vmem>>)
          tpu.yield
        }) : () -> ()
        %dma_start3A_485 = arith.constant 0 : i32
        %dma_start3A_486 = arith.constant 0 : i32
        %dma_start3A_487 = tpu.memref_slice %arg2[%dma_start3A_485, %dma_start3A_486] : memref<100000x128xf32, #tpu.memory_space<hbm>> -> memref<100000x128xf32, #tpu.memory_space<hbm>>
        tpu.enqueue_indirect_dma source(%dma_start3A_487 : memref<100000x128xf32, #tpu.memory_space<hbm>>) target(%arg8 : memref<200x128xf32, #tpu.memory_space<vmem>>) offsets(%arg5 : memref<200xi32, #tpu.memory_space<vmem>>) semaphore(%arg12 : memref<!tpu.dma_semaphore, #tpu.memory_space<semaphore_mem>>)
      } else {
      }
      %ge3A_306 = arith.constant 1 : i32
      %ge3A_307 = arith.cmpi sge, %add3A_293, %ge3A_306 : i32
      %convert_element_type3A_308 = arith.extui %ge3A_307 : i1 to i32
      %cond3A_309 = arith.constant 0 : i32
      %cond3A_310 = arith.cmpi ne, %convert_element_type3A_308, %cond3A_309 : i32
      scf.if %cond3A_310 {
        %sub3A = arith.constant 1 : i32
        %sub3A_480 = arith.subi %add3A_293, %sub3A : i32
        %mul3A_481 = arith.constant 200 : i32
        %mul3A_482 = arith.muli %sub3A_480, %mul3A_481 : i32
        %add3A_483 = arith.addi %mul3A_2, %mul3A_482 : i32
        %dma_start3A_484 = arith.constant 0 : i32
        %dma_start3A_485 = arith.constant 0 : i32
        %dma_start3A_486 = tpu.memref_slice %arg4[%add3A_483, %dma_start3A_485] : memref<800000x128xf32, #tpu.memory_space<hbm>> -> memref<200x128xf32, #tpu.memory_space<hbm>>
        %dma_start3A_487 = arith.constant 0 : i32
        %dma_start3A_488 = arith.constant 0 : i32
        %dma_start3A_489 = tpu.memref_slice %arg11[%arg1, %dma_start3A_484, %dma_start3A_487, %dma_start3A_488] : memref<16x2x200x128xf32, #tpu.memory_space<vmem_shared>> -> memref<1x1x200x128xf32, #tpu.memory_space<vmem_shared>>
        %dma_start3A_490 = tpu.memref_squeeze %dma_start3A_489 : memref<1x1x200x128xf32, #tpu.memory_space<vmem_shared>> -> memref<200x128xf32, #tpu.memory_space<vmem_shared>>
        tpu.enqueue_dma source(%dma_start3A_490 : memref<200x128xf32, #tpu.memory_space<vmem_shared>>) target(%dma_start3A_486 : memref<200x128xf32, #tpu.memory_space<hbm>>) target_semaphore(%arg17 : memref<!tpu.dma_semaphore, #tpu.memory_space<semaphore_mem>>)
      } else {
      }
      %ge3A_311 = arith.constant 2 : i32
      %ge3A_312 = arith.cmpi sge, %add3A_293, %ge3A_311 : i32
      %convert_element_type3A_313 = arith.extui %ge3A_312 : i1 to i32
      %cond3A_314 = arith.constant 0 : i32
      %cond3A_315 = arith.cmpi ne, %convert_element_type3A_313, %cond3A_314 : i32
      scf.if %cond3A_315 {
        %dma_wait3A_480 = arith.constant 1 : i32
        %dma_wait3A_481 = arith.constant 0 : i32
        %dma_wait3A_482 = arith.constant 0 : i32
        %dma_wait3A_483 = tpu.memref_slice %arg4[%dma_wait3A_481, %dma_wait3A_482] : memref<800000x128xf32, #tpu.memory_space<hbm>> -> memref<200x128xf32, #tpu.memory_space<hbm>>
        %dma_wait3A_484 = arith.constant 0 : i32
        %dma_wait3A_485 = arith.constant 0 : i32
        %dma_wait3A_486 = tpu.memref_slice %arg11[%arg1, %dma_wait3A_480, %dma_wait3A_484, %dma_wait3A_485] : memref<16x2x200x128xf32, #tpu.memory_space<vmem_shared>> -> memref<1x1x200x128xf32, #tpu.memory_space<vmem_shared>>
        %dma_wait3A_487 = tpu.memref_squeeze %dma_wait3A_486 : memref<1x1x200x128xf32, #tpu.memory_space<vmem_shared>> -> memref<200x128xf32, #tpu.memory_space<vmem_shared>>
        tpu.wait_dma2 semaphore(%arg18 : memref<!tpu.dma_semaphore, #tpu.memory_space<semaphore_mem>>) src(%dma_wait3A_487 : memref<200x128xf32, #tpu.memory_space<vmem_shared>>) dst(%dma_wait3A_483 : memref<200x128xf32, #tpu.memory_space<hbm>>)
      } else {
      }
      %dma_wait3A_316 = arith.constant 0 : i32
      %dma_wait3A_317 = arith.constant 0 : i32
      %dma_wait3A_318 = tpu.memref_slice %arg2[%dma_wait3A_316, %dma_wait3A_317] : memref<100000x128xf32, #tpu.memory_space<hbm>> -> memref<100000x128xf32, #tpu.memory_space<hbm>>
      tpu.wait_indirect_dma semaphore(%arg13 : memref<!tpu.dma_semaphore, #tpu.memory_space<semaphore_mem>>) src(%dma_wait3A_318 : memref<100000x128xf32, #tpu.memory_space<hbm>>) dst(%arg9 : memref<200x128xf32, #tpu.memory_space<vmem>>)
      %dma_start3A_319 = arith.constant 1 : i32
      %dma_start3A_320 = arith.constant 0 : i32
      %dma_start3A_321 = arith.constant 0 : i32
      %dma_start3A_322 = tpu.memref_slice %arg11[%arg1, %dma_start3A_319, %dma_start3A_320, %dma_start3A_321] : memref<16x2x200x128xf32, #tpu.memory_space<vmem_shared>> -> memref<1x1x200x128xf32, #tpu.memory_space<vmem_shared>>
      %dma_start3A_323 = tpu.memref_squeeze %dma_start3A_322 : memref<1x1x200x128xf32, #tpu.memory_space<vmem_shared>> -> memref<200x128xf32, #tpu.memory_space<vmem_shared>>
      %dma_start3A_324 = arith.constant 0 : i32
      %dma_start3A_325 = arith.constant 0 : i32
      %dma_start3A_326 = tpu.memref_slice %arg11[%arg1, %dma_start3A_319, %dma_start3A_324, %dma_start3A_325] : memref<16x2x200x128xf32, #tpu.memory_space<vmem_shared>> -> memref<1x1x200x128xf32, #tpu.memory_space<vmem_shared>>
      %dma_start3A_327 = tpu.memref_squeeze %dma_start3A_326 : memref<1x1x200x128xf32, #tpu.memory_space<vmem_shared>> -> memref<200x128xf32, #tpu.memory_space<vmem_shared>>
      tpu.enqueue_dma source(%arg9 : memref<200x128xf32, #tpu.memory_space<vmem>>) target(%dma_start3A_327 : memref<200x128xf32, #tpu.memory_space<vmem_shared>>) target_semaphore(%arg16 : memref<!tpu.dma_semaphore, #tpu.memory_space<semaphore_mem>>)
      %mul3A_328 = arith.constant 6 : i32
      %mul3A_329 = arith.muli %scan3A_255, %mul3A_328 : i32
      %add3A_330 = arith.constant 2 : i32
      %add3A_331 = arith.addi %mul3A_329, %add3A_330 : i32
      %ge3A_332 = arith.constant 1 : i32
      %ge3A_333 = arith.cmpi sge, %add3A_331, %ge3A_332 : i32
      %convert_element_type3A_334 = arith.extui %ge3A_333 : i1 to i32
      %cond3A_335 = arith.constant 0 : i32
      %cond3A_336 = arith.cmpi ne, %convert_element_type3A_334, %cond3A_335 : i32
      scf.if %cond3A_336 {
        %dma_wait3A_480 = arith.constant 1 : i32
        %dma_wait3A_481 = arith.constant 0 : i32
        %dma_wait3A_482 = arith.constant 0 : i32
        %dma_wait3A_483 = tpu.memref_slice %arg11[%arg1, %dma_wait3A_480, %dma_wait3A_481, %dma_wait3A_482] : memref<16x2x200x128xf32, #tpu.memory_space<vmem_shared>> -> memref<1x1x200x128xf32, #tpu.memory_space<vmem_shared>>
        %dma_wait3A_484 = tpu.memref_squeeze %dma_wait3A_483 : memref<1x1x200x128xf32, #tpu.memory_space<vmem_shared>> -> memref<200x128xf32, #tpu.memory_space<vmem_shared>>
        %dma_wait3A_485 = arith.constant 0 : i32
        %dma_wait3A_486 = arith.constant 0 : i32
        %dma_wait3A_487 = tpu.memref_slice %arg11[%arg1, %dma_wait3A_480, %dma_wait3A_485, %dma_wait3A_486] : memref<16x2x200x128xf32, #tpu.memory_space<vmem_shared>> -> memref<1x1x200x128xf32, #tpu.memory_space<vmem_shared>>
        %dma_wait3A_488 = tpu.memref_squeeze %dma_wait3A_487 : memref<1x1x200x128xf32, #tpu.memory_space<vmem_shared>> -> memref<200x128xf32, #tpu.memory_space<vmem_shared>>
        tpu.wait_dma2 semaphore(%arg16 : memref<!tpu.dma_semaphore, #tpu.memory_space<semaphore_mem>>) src(%arg9 : memref<200x128xf32, #tpu.memory_space<vmem>>) dst(%dma_wait3A_488 : memref<200x128xf32, #tpu.memory_space<vmem_shared>>)
      } else {
      }
      %add3A_337 = arith.constant 2 : i32
      %add3A_338 = arith.addi %add3A_331, %add3A_337 : i32
      %lt3A_339 = arith.constant 125 : i32
      %lt3A_340 = arith.cmpi slt, %add3A_338, %lt3A_339 : i32
      %convert_element_type3A_341 = arith.extui %lt3A_340 : i1 to i32
      %cond3A_342 = arith.constant 0 : i32
      %cond3A_343 = arith.cmpi ne, %convert_element_type3A_341, %cond3A_342 : i32
      scf.if %cond3A_343 {
        %add3A_480 = arith.constant 2 : i32
        %add3A_481 = arith.addi %add3A_331, %add3A_480 : i32
        %mul3A_482 = arith.constant 200 : i32
        %mul3A_483 = arith.muli %add3A_481, %mul3A_482 : i32
        %add3A_484 = arith.addi %mul3A_2, %mul3A_483 : i32
        "tpu.region"() ({
          %run_scoped3A = tpu.sem_alloc : memref<!tpu.dma_semaphore, #tpu.memory_space<semaphore_mem>>
          %dma_start3A_488 = tpu.memref_slice %arg3[%add3A_484] : memref<800000xi32, #tpu.memory_space<hbm>> -> memref<200xi32, #tpu.memory_space<hbm>>
          %dma_start3A_489 = tpu.memref_slice %arg3[%add3A_484] : memref<800000xi32, #tpu.memory_space<hbm>> -> memref<200xi32, #tpu.memory_space<hbm>>
          tpu.enqueue_dma source(%dma_start3A_489 : memref<200xi32, #tpu.memory_space<hbm>>) target(%arg6 : memref<200xi32, #tpu.memory_space<vmem>>) target_semaphore(%run_scoped3A : memref<!tpu.dma_semaphore, #tpu.memory_space<semaphore_mem>>)
          %dma_wait3A_490 = tpu.memref_slice %arg3[%add3A_484] : memref<800000xi32, #tpu.memory_space<hbm>> -> memref<200xi32, #tpu.memory_space<hbm>>
          %dma_wait3A_491 = tpu.memref_slice %arg3[%add3A_484] : memref<800000xi32, #tpu.memory_space<hbm>> -> memref<200xi32, #tpu.memory_space<hbm>>
          tpu.wait_dma2 semaphore(%run_scoped3A : memref<!tpu.dma_semaphore, #tpu.memory_space<semaphore_mem>>) src(%dma_wait3A_491 : memref<200xi32, #tpu.memory_space<hbm>>) dst(%arg6 : memref<200xi32, #tpu.memory_space<vmem>>)
          tpu.yield
        }) : () -> ()
        %dma_start3A_485 = arith.constant 0 : i32
        %dma_start3A_486 = arith.constant 0 : i32
        %dma_start3A_487 = tpu.memref_slice %arg2[%dma_start3A_485, %dma_start3A_486] : memref<100000x128xf32, #tpu.memory_space<hbm>> -> memref<100000x128xf32, #tpu.memory_space<hbm>>
        tpu.enqueue_indirect_dma source(%dma_start3A_487 : memref<100000x128xf32, #tpu.memory_space<hbm>>) target(%arg9 : memref<200x128xf32, #tpu.memory_space<vmem>>) offsets(%arg6 : memref<200xi32, #tpu.memory_space<vmem>>) semaphore(%arg13 : memref<!tpu.dma_semaphore, #tpu.memory_space<semaphore_mem>>)
      } else {
      }
      %ge3A_344 = arith.constant 1 : i32
      %ge3A_345 = arith.cmpi sge, %add3A_331, %ge3A_344 : i32
      %convert_element_type3A_346 = arith.extui %ge3A_345 : i1 to i32
      %cond3A_347 = arith.constant 0 : i32
      %cond3A_348 = arith.cmpi ne, %convert_element_type3A_346, %cond3A_347 : i32
      scf.if %cond3A_348 {
        %sub3A = arith.constant 1 : i32
        %sub3A_480 = arith.subi %add3A_331, %sub3A : i32
        %mul3A_481 = arith.constant 200 : i32
        %mul3A_482 = arith.muli %sub3A_480, %mul3A_481 : i32
        %add3A_483 = arith.addi %mul3A_2, %mul3A_482 : i32
        %dma_start3A_484 = arith.constant 1 : i32
        %dma_start3A_485 = arith.constant 0 : i32
        %dma_start3A_486 = tpu.memref_slice %arg4[%add3A_483, %dma_start3A_485] : memref<800000x128xf32, #tpu.memory_space<hbm>> -> memref<200x128xf32, #tpu.memory_space<hbm>>
        %dma_start3A_487 = arith.constant 0 : i32
        %dma_start3A_488 = arith.constant 0 : i32
        %dma_start3A_489 = tpu.memref_slice %arg11[%arg1, %dma_start3A_484, %dma_start3A_487, %dma_start3A_488] : memref<16x2x200x128xf32, #tpu.memory_space<vmem_shared>> -> memref<1x1x200x128xf32, #tpu.memory_space<vmem_shared>>
        %dma_start3A_490 = tpu.memref_squeeze %dma_start3A_489 : memref<1x1x200x128xf32, #tpu.memory_space<vmem_shared>> -> memref<200x128xf32, #tpu.memory_space<vmem_shared>>
        tpu.enqueue_dma source(%dma_start3A_490 : memref<200x128xf32, #tpu.memory_space<vmem_shared>>) target(%dma_start3A_486 : memref<200x128xf32, #tpu.memory_space<hbm>>) target_semaphore(%arg18 : memref<!tpu.dma_semaphore, #tpu.memory_space<semaphore_mem>>)
      } else {
      }
      %ge3A_349 = arith.constant 2 : i32
      %ge3A_350 = arith.cmpi sge, %add3A_331, %ge3A_349 : i32
      %convert_element_type3A_351 = arith.extui %ge3A_350 : i1 to i32
      %cond3A_352 = arith.constant 0 : i32
      %cond3A_353 = arith.cmpi ne, %convert_element_type3A_351, %cond3A_352 : i32
      scf.if %cond3A_353 {
        %dma_wait3A_480 = arith.constant 0 : i32
        %dma_wait3A_481 = arith.constant 0 : i32
        %dma_wait3A_482 = arith.constant 0 : i32
        %dma_wait3A_483 = tpu.memref_slice %arg4[%dma_wait3A_481, %dma_wait3A_482] : memref<800000x128xf32, #tpu.memory_space<hbm>> -> memref<200x128xf32, #tpu.memory_space<hbm>>
        %dma_wait3A_484 = arith.constant 0 : i32
        %dma_wait3A_485 = arith.constant 0 : i32
        %dma_wait3A_486 = tpu.memref_slice %arg11[%arg1, %dma_wait3A_480, %dma_wait3A_484, %dma_wait3A_485] : memref<16x2x200x128xf32, #tpu.memory_space<vmem_shared>> -> memref<1x1x200x128xf32, #tpu.memory_space<vmem_shared>>
        %dma_wait3A_487 = tpu.memref_squeeze %dma_wait3A_486 : memref<1x1x200x128xf32, #tpu.memory_space<vmem_shared>> -> memref<200x128xf32, #tpu.memory_space<vmem_shared>>
        tpu.wait_dma2 semaphore(%arg17 : memref<!tpu.dma_semaphore, #tpu.memory_space<semaphore_mem>>) src(%dma_wait3A_487 : memref<200x128xf32, #tpu.memory_space<vmem_shared>>) dst(%dma_wait3A_483 : memref<200x128xf32, #tpu.memory_space<hbm>>)
      } else {
      }
      %dma_wait3A_354 = arith.constant 0 : i32
      %dma_wait3A_355 = arith.constant 0 : i32
      %dma_wait3A_356 = tpu.memref_slice %arg2[%dma_wait3A_354, %dma_wait3A_355] : memref<100000x128xf32, #tpu.memory_space<hbm>> -> memref<100000x128xf32, #tpu.memory_space<hbm>>
      tpu.wait_indirect_dma semaphore(%arg14 : memref<!tpu.dma_semaphore, #tpu.memory_space<semaphore_mem>>) src(%dma_wait3A_356 : memref<100000x128xf32, #tpu.memory_space<hbm>>) dst(%arg10 : memref<200x128xf32, #tpu.memory_space<vmem>>)
      %dma_start3A_357 = arith.constant 0 : i32
      %dma_start3A_358 = arith.constant 0 : i32
      %dma_start3A_359 = arith.constant 0 : i32
      %dma_start3A_360 = tpu.memref_slice %arg11[%arg1, %dma_start3A_357, %dma_start3A_358, %dma_start3A_359] : memref<16x2x200x128xf32, #tpu.memory_space<vmem_shared>> -> memref<1x1x200x128xf32, #tpu.memory_space<vmem_shared>>
      %dma_start3A_361 = tpu.memref_squeeze %dma_start3A_360 : memref<1x1x200x128xf32, #tpu.memory_space<vmem_shared>> -> memref<200x128xf32, #tpu.memory_space<vmem_shared>>
      %dma_start3A_362 = arith.constant 0 : i32
      %dma_start3A_363 = arith.constant 0 : i32
      %dma_start3A_364 = tpu.memref_slice %arg11[%arg1, %dma_start3A_357, %dma_start3A_362, %dma_start3A_363] : memref<16x2x200x128xf32, #tpu.memory_space<vmem_shared>> -> memref<1x1x200x128xf32, #tpu.memory_space<vmem_shared>>
      %dma_start3A_365 = tpu.memref_squeeze %dma_start3A_364 : memref<1x1x200x128xf32, #tpu.memory_space<vmem_shared>> -> memref<200x128xf32, #tpu.memory_space<vmem_shared>>
      tpu.enqueue_dma source(%arg10 : memref<200x128xf32, #tpu.memory_space<vmem>>) target(%dma_start3A_365 : memref<200x128xf32, #tpu.memory_space<vmem_shared>>) target_semaphore(%arg15 : memref<!tpu.dma_semaphore, #tpu.memory_space<semaphore_mem>>)
      %mul3A_366 = arith.constant 6 : i32
      %mul3A_367 = arith.muli %scan3A_255, %mul3A_366 : i32
      %add3A_368 = arith.constant 3 : i32
      %add3A_369 = arith.addi %mul3A_367, %add3A_368 : i32
      %ge3A_370 = arith.constant 1 : i32
      %ge3A_371 = arith.cmpi sge, %add3A_369, %ge3A_370 : i32
      %convert_element_type3A_372 = arith.extui %ge3A_371 : i1 to i32
      %cond3A_373 = arith.constant 0 : i32
      %cond3A_374 = arith.cmpi ne, %convert_element_type3A_372, %cond3A_373 : i32
      scf.if %cond3A_374 {
        %dma_wait3A_480 = arith.constant 0 : i32
        %dma_wait3A_481 = arith.constant 0 : i32
        %dma_wait3A_482 = arith.constant 0 : i32
        %dma_wait3A_483 = tpu.memref_slice %arg11[%arg1, %dma_wait3A_480, %dma_wait3A_481, %dma_wait3A_482] : memref<16x2x200x128xf32, #tpu.memory_space<vmem_shared>> -> memref<1x1x200x128xf32, #tpu.memory_space<vmem_shared>>
        %dma_wait3A_484 = tpu.memref_squeeze %dma_wait3A_483 : memref<1x1x200x128xf32, #tpu.memory_space<vmem_shared>> -> memref<200x128xf32, #tpu.memory_space<vmem_shared>>
        %dma_wait3A_485 = arith.constant 0 : i32
        %dma_wait3A_486 = arith.constant 0 : i32
        %dma_wait3A_487 = tpu.memref_slice %arg11[%arg1, %dma_wait3A_480, %dma_wait3A_485, %dma_wait3A_486] : memref<16x2x200x128xf32, #tpu.memory_space<vmem_shared>> -> memref<1x1x200x128xf32, #tpu.memory_space<vmem_shared>>
        %dma_wait3A_488 = tpu.memref_squeeze %dma_wait3A_487 : memref<1x1x200x128xf32, #tpu.memory_space<vmem_shared>> -> memref<200x128xf32, #tpu.memory_space<vmem_shared>>
        tpu.wait_dma2 semaphore(%arg15 : memref<!tpu.dma_semaphore, #tpu.memory_space<semaphore_mem>>) src(%arg10 : memref<200x128xf32, #tpu.memory_space<vmem>>) dst(%dma_wait3A_488 : memref<200x128xf32, #tpu.memory_space<vmem_shared>>)
      } else {
      }
      %add3A_375 = arith.constant 2 : i32
      %add3A_376 = arith.addi %add3A_369, %add3A_375 : i32
      %lt3A_377 = arith.constant 125 : i32
      %lt3A_378 = arith.cmpi slt, %add3A_376, %lt3A_377 : i32
      %convert_element_type3A_379 = arith.extui %lt3A_378 : i1 to i32
      %cond3A_380 = arith.constant 0 : i32
      %cond3A_381 = arith.cmpi ne, %convert_element_type3A_379, %cond3A_380 : i32
      scf.if %cond3A_381 {
        %add3A_480 = arith.constant 2 : i32
        %add3A_481 = arith.addi %add3A_369, %add3A_480 : i32
        %mul3A_482 = arith.constant 200 : i32
        %mul3A_483 = arith.muli %add3A_481, %mul3A_482 : i32
        %add3A_484 = arith.addi %mul3A_2, %mul3A_483 : i32
        "tpu.region"() ({
          %run_scoped3A = tpu.sem_alloc : memref<!tpu.dma_semaphore, #tpu.memory_space<semaphore_mem>>
          %dma_start3A_488 = tpu.memref_slice %arg3[%add3A_484] : memref<800000xi32, #tpu.memory_space<hbm>> -> memref<200xi32, #tpu.memory_space<hbm>>
          %dma_start3A_489 = tpu.memref_slice %arg3[%add3A_484] : memref<800000xi32, #tpu.memory_space<hbm>> -> memref<200xi32, #tpu.memory_space<hbm>>
          tpu.enqueue_dma source(%dma_start3A_489 : memref<200xi32, #tpu.memory_space<hbm>>) target(%arg7 : memref<200xi32, #tpu.memory_space<vmem>>) target_semaphore(%run_scoped3A : memref<!tpu.dma_semaphore, #tpu.memory_space<semaphore_mem>>)
          %dma_wait3A_490 = tpu.memref_slice %arg3[%add3A_484] : memref<800000xi32, #tpu.memory_space<hbm>> -> memref<200xi32, #tpu.memory_space<hbm>>
          %dma_wait3A_491 = tpu.memref_slice %arg3[%add3A_484] : memref<800000xi32, #tpu.memory_space<hbm>> -> memref<200xi32, #tpu.memory_space<hbm>>
          tpu.wait_dma2 semaphore(%run_scoped3A : memref<!tpu.dma_semaphore, #tpu.memory_space<semaphore_mem>>) src(%dma_wait3A_491 : memref<200xi32, #tpu.memory_space<hbm>>) dst(%arg7 : memref<200xi32, #tpu.memory_space<vmem>>)
          tpu.yield
        }) : () -> ()
        %dma_start3A_485 = arith.constant 0 : i32
        %dma_start3A_486 = arith.constant 0 : i32
        %dma_start3A_487 = tpu.memref_slice %arg2[%dma_start3A_485, %dma_start3A_486] : memref<100000x128xf32, #tpu.memory_space<hbm>> -> memref<100000x128xf32, #tpu.memory_space<hbm>>
        tpu.enqueue_indirect_dma source(%dma_start3A_487 : memref<100000x128xf32, #tpu.memory_space<hbm>>) target(%arg10 : memref<200x128xf32, #tpu.memory_space<vmem>>) offsets(%arg7 : memref<200xi32, #tpu.memory_space<vmem>>) semaphore(%arg14 : memref<!tpu.dma_semaphore, #tpu.memory_space<semaphore_mem>>)
      } else {
      }
      %ge3A_382 = arith.constant 1 : i32
      %ge3A_383 = arith.cmpi sge, %add3A_369, %ge3A_382 : i32
      %convert_element_type3A_384 = arith.extui %ge3A_383 : i1 to i32
      %cond3A_385 = arith.constant 0 : i32
      %cond3A_386 = arith.cmpi ne, %convert_element_type3A_384, %cond3A_385 : i32
      scf.if %cond3A_386 {
        %sub3A = arith.constant 1 : i32
        %sub3A_480 = arith.subi %add3A_369, %sub3A : i32
        %mul3A_481 = arith.constant 200 : i32
        %mul3A_482 = arith.muli %sub3A_480, %mul3A_481 : i32
        %add3A_483 = arith.addi %mul3A_2, %mul3A_482 : i32
        %dma_start3A_484 = arith.constant 0 : i32
        %dma_start3A_485 = arith.constant 0 : i32
        %dma_start3A_486 = tpu.memref_slice %arg4[%add3A_483, %dma_start3A_485] : memref<800000x128xf32, #tpu.memory_space<hbm>> -> memref<200x128xf32, #tpu.memory_space<hbm>>
        %dma_start3A_487 = arith.constant 0 : i32
        %dma_start3A_488 = arith.constant 0 : i32
        %dma_start3A_489 = tpu.memref_slice %arg11[%arg1, %dma_start3A_484, %dma_start3A_487, %dma_start3A_488] : memref<16x2x200x128xf32, #tpu.memory_space<vmem_shared>> -> memref<1x1x200x128xf32, #tpu.memory_space<vmem_shared>>
        %dma_start3A_490 = tpu.memref_squeeze %dma_start3A_489 : memref<1x1x200x128xf32, #tpu.memory_space<vmem_shared>> -> memref<200x128xf32, #tpu.memory_space<vmem_shared>>
        tpu.enqueue_dma source(%dma_start3A_490 : memref<200x128xf32, #tpu.memory_space<vmem_shared>>) target(%dma_start3A_486 : memref<200x128xf32, #tpu.memory_space<hbm>>) target_semaphore(%arg17 : memref<!tpu.dma_semaphore, #tpu.memory_space<semaphore_mem>>)
      } else {
      }
      %ge3A_387 = arith.constant 2 : i32
      %ge3A_388 = arith.cmpi sge, %add3A_369, %ge3A_387 : i32
      %convert_element_type3A_389 = arith.extui %ge3A_388 : i1 to i32
      %cond3A_390 = arith.constant 0 : i32
      %cond3A_391 = arith.cmpi ne, %convert_element_type3A_389, %cond3A_390 : i32
      scf.if %cond3A_391 {
        %dma_wait3A_480 = arith.constant 1 : i32
        %dma_wait3A_481 = arith.constant 0 : i32
        %dma_wait3A_482 = arith.constant 0 : i32
        %dma_wait3A_483 = tpu.memref_slice %arg4[%dma_wait3A_481, %dma_wait3A_482] : memref<800000x128xf32, #tpu.memory_space<hbm>> -> memref<200x128xf32, #tpu.memory_space<hbm>>
        %dma_wait3A_484 = arith.constant 0 : i32
        %dma_wait3A_485 = arith.constant 0 : i32
        %dma_wait3A_486 = tpu.memref_slice %arg11[%arg1, %dma_wait3A_480, %dma_wait3A_484, %dma_wait3A_485] : memref<16x2x200x128xf32, #tpu.memory_space<vmem_shared>> -> memref<1x1x200x128xf32, #tpu.memory_space<vmem_shared>>
        %dma_wait3A_487 = tpu.memref_squeeze %dma_wait3A_486 : memref<1x1x200x128xf32, #tpu.memory_space<vmem_shared>> -> memref<200x128xf32, #tpu.memory_space<vmem_shared>>
        tpu.wait_dma2 semaphore(%arg18 : memref<!tpu.dma_semaphore, #tpu.memory_space<semaphore_mem>>) src(%dma_wait3A_487 : memref<200x128xf32, #tpu.memory_space<vmem_shared>>) dst(%dma_wait3A_483 : memref<200x128xf32, #tpu.memory_space<hbm>>)
      } else {
      }
      %dma_wait3A_392 = arith.constant 0 : i32
      %dma_wait3A_393 = arith.constant 0 : i32
      %dma_wait3A_394 = tpu.memref_slice %arg2[%dma_wait3A_392, %dma_wait3A_393] : memref<100000x128xf32, #tpu.memory_space<hbm>> -> memref<100000x128xf32, #tpu.memory_space<hbm>>
      tpu.wait_indirect_dma semaphore(%arg12 : memref<!tpu.dma_semaphore, #tpu.memory_space<semaphore_mem>>) src(%dma_wait3A_394 : memref<100000x128xf32, #tpu.memory_space<hbm>>) dst(%arg8 : memref<200x128xf32, #tpu.memory_space<vmem>>)
      %dma_start3A_395 = arith.constant 1 : i32
      %dma_start3A_396 = arith.constant 0 : i32
      %dma_start3A_397 = arith.constant 0 : i32
      %dma_start3A_398 = tpu.memref_slice %arg11[%arg1, %dma_start3A_395, %dma_start3A_396, %dma_start3A_397] : memref<16x2x200x128xf32, #tpu.memory_space<vmem_shared>> -> memref<1x1x200x128xf32, #tpu.memory_space<vmem_shared>>
      %dma_start3A_399 = tpu.memref_squeeze %dma_start3A_398 : memref<1x1x200x128xf32, #tpu.memory_space<vmem_shared>> -> memref<200x128xf32, #tpu.memory_space<vmem_shared>>
      %dma_start3A_400 = arith.constant 0 : i32
      %dma_start3A_401 = arith.constant 0 : i32
      %dma_start3A_402 = tpu.memref_slice %arg11[%arg1, %dma_start3A_395, %dma_start3A_400, %dma_start3A_401] : memref<16x2x200x128xf32, #tpu.memory_space<vmem_shared>> -> memref<1x1x200x128xf32, #tpu.memory_space<vmem_shared>>
      %dma_start3A_403 = tpu.memref_squeeze %dma_start3A_402 : memref<1x1x200x128xf32, #tpu.memory_space<vmem_shared>> -> memref<200x128xf32, #tpu.memory_space<vmem_shared>>
      tpu.enqueue_dma source(%arg8 : memref<200x128xf32, #tpu.memory_space<vmem>>) target(%dma_start3A_403 : memref<200x128xf32, #tpu.memory_space<vmem_shared>>) target_semaphore(%arg16 : memref<!tpu.dma_semaphore, #tpu.memory_space<semaphore_mem>>)
      %mul3A_404 = arith.constant 6 : i32
      %mul3A_405 = arith.muli %scan3A_255, %mul3A_404 : i32
      %add3A_406 = arith.constant 4 : i32
      %add3A_407 = arith.addi %mul3A_405, %add3A_406 : i32
      %ge3A_408 = arith.constant 1 : i32
      %ge3A_409 = arith.cmpi sge, %add3A_407, %ge3A_408 : i32
      %convert_element_type3A_410 = arith.extui %ge3A_409 : i1 to i32
      %cond3A_411 = arith.constant 0 : i32
      %cond3A_412 = arith.cmpi ne, %convert_element_type3A_410, %cond3A_411 : i32
      scf.if %cond3A_412 {
        %dma_wait3A_480 = arith.constant 1 : i32
        %dma_wait3A_481 = arith.constant 0 : i32
        %dma_wait3A_482 = arith.constant 0 : i32
        %dma_wait3A_483 = tpu.memref_slice %arg11[%arg1, %dma_wait3A_480, %dma_wait3A_481, %dma_wait3A_482] : memref<16x2x200x128xf32, #tpu.memory_space<vmem_shared>> -> memref<1x1x200x128xf32, #tpu.memory_space<vmem_shared>>
        %dma_wait3A_484 = tpu.memref_squeeze %dma_wait3A_483 : memref<1x1x200x128xf32, #tpu.memory_space<vmem_shared>> -> memref<200x128xf32, #tpu.memory_space<vmem_shared>>
        %dma_wait3A_485 = arith.constant 0 : i32
        %dma_wait3A_486 = arith.constant 0 : i32
        %dma_wait3A_487 = tpu.memref_slice %arg11[%arg1, %dma_wait3A_480, %dma_wait3A_485, %dma_wait3A_486] : memref<16x2x200x128xf32, #tpu.memory_space<vmem_shared>> -> memref<1x1x200x128xf32, #tpu.memory_space<vmem_shared>>
        %dma_wait3A_488 = tpu.memref_squeeze %dma_wait3A_487 : memref<1x1x200x128xf32, #tpu.memory_space<vmem_shared>> -> memref<200x128xf32, #tpu.memory_space<vmem_shared>>
        tpu.wait_dma2 semaphore(%arg16 : memref<!tpu.dma_semaphore, #tpu.memory_space<semaphore_mem>>) src(%arg8 : memref<200x128xf32, #tpu.memory_space<vmem>>) dst(%dma_wait3A_488 : memref<200x128xf32, #tpu.memory_space<vmem_shared>>)
      } else {
      }
      %add3A_413 = arith.constant 2 : i32
      %add3A_414 = arith.addi %add3A_407, %add3A_413 : i32
      %lt3A_415 = arith.constant 125 : i32
      %lt3A_416 = arith.cmpi slt, %add3A_414, %lt3A_415 : i32
      %convert_element_type3A_417 = arith.extui %lt3A_416 : i1 to i32
      %cond3A_418 = arith.constant 0 : i32
      %cond3A_419 = arith.cmpi ne, %convert_element_type3A_417, %cond3A_418 : i32
      scf.if %cond3A_419 {
        %add3A_480 = arith.constant 2 : i32
        %add3A_481 = arith.addi %add3A_407, %add3A_480 : i32
        %mul3A_482 = arith.constant 200 : i32
        %mul3A_483 = arith.muli %add3A_481, %mul3A_482 : i32
        %add3A_484 = arith.addi %mul3A_2, %mul3A_483 : i32
        "tpu.region"() ({
          %run_scoped3A = tpu.sem_alloc : memref<!tpu.dma_semaphore, #tpu.memory_space<semaphore_mem>>
          %dma_start3A_488 = tpu.memref_slice %arg3[%add3A_484] : memref<800000xi32, #tpu.memory_space<hbm>> -> memref<200xi32, #tpu.memory_space<hbm>>
          %dma_start3A_489 = tpu.memref_slice %arg3[%add3A_484] : memref<800000xi32, #tpu.memory_space<hbm>> -> memref<200xi32, #tpu.memory_space<hbm>>
          tpu.enqueue_dma source(%dma_start3A_489 : memref<200xi32, #tpu.memory_space<hbm>>) target(%arg5 : memref<200xi32, #tpu.memory_space<vmem>>) target_semaphore(%run_scoped3A : memref<!tpu.dma_semaphore, #tpu.memory_space<semaphore_mem>>)
          %dma_wait3A_490 = tpu.memref_slice %arg3[%add3A_484] : memref<800000xi32, #tpu.memory_space<hbm>> -> memref<200xi32, #tpu.memory_space<hbm>>
          %dma_wait3A_491 = tpu.memref_slice %arg3[%add3A_484] : memref<800000xi32, #tpu.memory_space<hbm>> -> memref<200xi32, #tpu.memory_space<hbm>>
          tpu.wait_dma2 semaphore(%run_scoped3A : memref<!tpu.dma_semaphore, #tpu.memory_space<semaphore_mem>>) src(%dma_wait3A_491 : memref<200xi32, #tpu.memory_space<hbm>>) dst(%arg5 : memref<200xi32, #tpu.memory_space<vmem>>)
          tpu.yield
        }) : () -> ()
        %dma_start3A_485 = arith.constant 0 : i32
        %dma_start3A_486 = arith.constant 0 : i32
        %dma_start3A_487 = tpu.memref_slice %arg2[%dma_start3A_485, %dma_start3A_486] : memref<100000x128xf32, #tpu.memory_space<hbm>> -> memref<100000x128xf32, #tpu.memory_space<hbm>>
        tpu.enqueue_indirect_dma source(%dma_start3A_487 : memref<100000x128xf32, #tpu.memory_space<hbm>>) target(%arg8 : memref<200x128xf32, #tpu.memory_space<vmem>>) offsets(%arg5 : memref<200xi32, #tpu.memory_space<vmem>>) semaphore(%arg12 : memref<!tpu.dma_semaphore, #tpu.memory_space<semaphore_mem>>)
      } else {
      }
      %ge3A_420 = arith.constant 1 : i32
      %ge3A_421 = arith.cmpi sge, %add3A_407, %ge3A_420 : i32
      %convert_element_type3A_422 = arith.extui %ge3A_421 : i1 to i32
      %cond3A_423 = arith.constant 0 : i32
      %cond3A_424 = arith.cmpi ne, %convert_element_type3A_422, %cond3A_423 : i32
      scf.if %cond3A_424 {
        %sub3A = arith.constant 1 : i32
        %sub3A_480 = arith.subi %add3A_407, %sub3A : i32
        %mul3A_481 = arith.constant 200 : i32
        %mul3A_482 = arith.muli %sub3A_480, %mul3A_481 : i32
        %add3A_483 = arith.addi %mul3A_2, %mul3A_482 : i32
        %dma_start3A_484 = arith.constant 1 : i32
        %dma_start3A_485 = arith.constant 0 : i32
        %dma_start3A_486 = tpu.memref_slice %arg4[%add3A_483, %dma_start3A_485] : memref<800000x128xf32, #tpu.memory_space<hbm>> -> memref<200x128xf32, #tpu.memory_space<hbm>>
        %dma_start3A_487 = arith.constant 0 : i32
        %dma_start3A_488 = arith.constant 0 : i32
        %dma_start3A_489 = tpu.memref_slice %arg11[%arg1, %dma_start3A_484, %dma_start3A_487, %dma_start3A_488] : memref<16x2x200x128xf32, #tpu.memory_space<vmem_shared>> -> memref<1x1x200x128xf32, #tpu.memory_space<vmem_shared>>
        %dma_start3A_490 = tpu.memref_squeeze %dma_start3A_489 : memref<1x1x200x128xf32, #tpu.memory_space<vmem_shared>> -> memref<200x128xf32, #tpu.memory_space<vmem_shared>>
        tpu.enqueue_dma source(%dma_start3A_490 : memref<200x128xf32, #tpu.memory_space<vmem_shared>>) target(%dma_start3A_486 : memref<200x128xf32, #tpu.memory_space<hbm>>) target_semaphore(%arg18 : memref<!tpu.dma_semaphore, #tpu.memory_space<semaphore_mem>>)
      } else {
      }
      %ge3A_425 = arith.constant 2 : i32
      %ge3A_426 = arith.cmpi sge, %add3A_407, %ge3A_425 : i32
      %convert_element_type3A_427 = arith.extui %ge3A_426 : i1 to i32
      %cond3A_428 = arith.constant 0 : i32
      %cond3A_429 = arith.cmpi ne, %convert_element_type3A_427, %cond3A_428 : i32
      scf.if %cond3A_429 {
        %dma_wait3A_480 = arith.constant 0 : i32
        %dma_wait3A_481 = arith.constant 0 : i32
        %dma_wait3A_482 = arith.constant 0 : i32
        %dma_wait3A_483 = tpu.memref_slice %arg4[%dma_wait3A_481, %dma_wait3A_482] : memref<800000x128xf32, #tpu.memory_space<hbm>> -> memref<200x128xf32, #tpu.memory_space<hbm>>
        %dma_wait3A_484 = arith.constant 0 : i32
        %dma_wait3A_485 = arith.constant 0 : i32
        %dma_wait3A_486 = tpu.memref_slice %arg11[%arg1, %dma_wait3A_480, %dma_wait3A_484, %dma_wait3A_485] : memref<16x2x200x128xf32, #tpu.memory_space<vmem_shared>> -> memref<1x1x200x128xf32, #tpu.memory_space<vmem_shared>>
        %dma_wait3A_487 = tpu.memref_squeeze %dma_wait3A_486 : memref<1x1x200x128xf32, #tpu.memory_space<vmem_shared>> -> memref<200x128xf32, #tpu.memory_space<vmem_shared>>
        tpu.wait_dma2 semaphore(%arg17 : memref<!tpu.dma_semaphore, #tpu.memory_space<semaphore_mem>>) src(%dma_wait3A_487 : memref<200x128xf32, #tpu.memory_space<vmem_shared>>) dst(%dma_wait3A_483 : memref<200x128xf32, #tpu.memory_space<hbm>>)
      } else {
      }
      %dma_wait3A_430 = arith.constant 0 : i32
      %dma_wait3A_431 = arith.constant 0 : i32
      %dma_wait3A_432 = tpu.memref_slice %arg2[%dma_wait3A_430, %dma_wait3A_431] : memref<100000x128xf32, #tpu.memory_space<hbm>> -> memref<100000x128xf32, #tpu.memory_space<hbm>>
      tpu.wait_indirect_dma semaphore(%arg13 : memref<!tpu.dma_semaphore, #tpu.memory_space<semaphore_mem>>) src(%dma_wait3A_432 : memref<100000x128xf32, #tpu.memory_space<hbm>>) dst(%arg9 : memref<200x128xf32, #tpu.memory_space<vmem>>)
      %dma_start3A_433 = arith.constant 0 : i32
      %dma_start3A_434 = arith.constant 0 : i32
      %dma_start3A_435 = arith.constant 0 : i32
      %dma_start3A_436 = tpu.memref_slice %arg11[%arg1, %dma_start3A_433, %dma_start3A_434, %dma_start3A_435] : memref<16x2x200x128xf32, #tpu.memory_space<vmem_shared>> -> memref<1x1x200x128xf32, #tpu.memory_space<vmem_shared>>
      %dma_start3A_437 = tpu.memref_squeeze %dma_start3A_436 : memref<1x1x200x128xf32, #tpu.memory_space<vmem_shared>> -> memref<200x128xf32, #tpu.memory_space<vmem_shared>>
      %dma_start3A_438 = arith.constant 0 : i32
      %dma_start3A_439 = arith.constant 0 : i32
      %dma_start3A_440 = tpu.memref_slice %arg11[%arg1, %dma_start3A_433, %dma_start3A_438, %dma_start3A_439] : memref<16x2x200x128xf32, #tpu.memory_space<vmem_shared>> -> memref<1x1x200x128xf32, #tpu.memory_space<vmem_shared>>
      %dma_start3A_441 = tpu.memref_squeeze %dma_start3A_440 : memref<1x1x200x128xf32, #tpu.memory_space<vmem_shared>> -> memref<200x128xf32, #tpu.memory_space<vmem_shared>>
      tpu.enqueue_dma source(%arg9 : memref<200x128xf32, #tpu.memory_space<vmem>>) target(%dma_start3A_441 : memref<200x128xf32, #tpu.memory_space<vmem_shared>>) target_semaphore(%arg15 : memref<!tpu.dma_semaphore, #tpu.memory_space<semaphore_mem>>)
      %mul3A_442 = arith.constant 6 : i32
      %mul3A_443 = arith.muli %scan3A_255, %mul3A_442 : i32
      %add3A_444 = arith.constant 5 : i32
      %add3A_445 = arith.addi %mul3A_443, %add3A_444 : i32
      %ge3A_446 = arith.constant 1 : i32
      %ge3A_447 = arith.cmpi sge, %add3A_445, %ge3A_446 : i32
      %convert_element_type3A_448 = arith.extui %ge3A_447 : i1 to i32
      %cond3A_449 = arith.constant 0 : i32
      %cond3A_450 = arith.cmpi ne, %convert_element_type3A_448, %cond3A_449 : i32
      scf.if %cond3A_450 {
        %dma_wait3A_480 = arith.constant 0 : i32
        %dma_wait3A_481 = arith.constant 0 : i32
        %dma_wait3A_482 = arith.constant 0 : i32
        %dma_wait3A_483 = tpu.memref_slice %arg11[%arg1, %dma_wait3A_480, %dma_wait3A_481, %dma_wait3A_482] : memref<16x2x200x128xf32, #tpu.memory_space<vmem_shared>> -> memref<1x1x200x128xf32, #tpu.memory_space<vmem_shared>>
        %dma_wait3A_484 = tpu.memref_squeeze %dma_wait3A_483 : memref<1x1x200x128xf32, #tpu.memory_space<vmem_shared>> -> memref<200x128xf32, #tpu.memory_space<vmem_shared>>
        %dma_wait3A_485 = arith.constant 0 : i32
        %dma_wait3A_486 = arith.constant 0 : i32
        %dma_wait3A_487 = tpu.memref_slice %arg11[%arg1, %dma_wait3A_480, %dma_wait3A_485, %dma_wait3A_486] : memref<16x2x200x128xf32, #tpu.memory_space<vmem_shared>> -> memref<1x1x200x128xf32, #tpu.memory_space<vmem_shared>>
        %dma_wait3A_488 = tpu.memref_squeeze %dma_wait3A_487 : memref<1x1x200x128xf32, #tpu.memory_space<vmem_shared>> -> memref<200x128xf32, #tpu.memory_space<vmem_shared>>
        tpu.wait_dma2 semaphore(%arg15 : memref<!tpu.dma_semaphore, #tpu.memory_space<semaphore_mem>>) src(%arg9 : memref<200x128xf32, #tpu.memory_space<vmem>>) dst(%dma_wait3A_488 : memref<200x128xf32, #tpu.memory_space<vmem_shared>>)
      } else {
      }
      %add3A_451 = arith.constant 2 : i32
      %add3A_452 = arith.addi %add3A_445, %add3A_451 : i32
      %lt3A_453 = arith.constant 125 : i32
      %lt3A_454 = arith.cmpi slt, %add3A_452, %lt3A_453 : i32
      %convert_element_type3A_455 = arith.extui %lt3A_454 : i1 to i32
      %cond3A_456 = arith.constant 0 : i32
      %cond3A_457 = arith.cmpi ne, %convert_element_type3A_455, %cond3A_456 : i32
      scf.if %cond3A_457 {
        %add3A_480 = arith.constant 2 : i32
        %add3A_481 = arith.addi %add3A_445, %add3A_480 : i32
        %mul3A_482 = arith.constant 200 : i32
        %mul3A_483 = arith.muli %add3A_481, %mul3A_482 : i32
        %add3A_484 = arith.addi %mul3A_2, %mul3A_483 : i32
        "tpu.region"() ({
          %run_scoped3A = tpu.sem_alloc : memref<!tpu.dma_semaphore, #tpu.memory_space<semaphore_mem>>
          %dma_start3A_488 = tpu.memref_slice %arg3[%add3A_484] : memref<800000xi32, #tpu.memory_space<hbm>> -> memref<200xi32, #tpu.memory_space<hbm>>
          %dma_start3A_489 = tpu.memref_slice %arg3[%add3A_484] : memref<800000xi32, #tpu.memory_space<hbm>> -> memref<200xi32, #tpu.memory_space<hbm>>
          tpu.enqueue_dma source(%dma_start3A_489 : memref<200xi32, #tpu.memory_space<hbm>>) target(%arg6 : memref<200xi32, #tpu.memory_space<vmem>>) target_semaphore(%run_scoped3A : memref<!tpu.dma_semaphore, #tpu.memory_space<semaphore_mem>>)
          %dma_wait3A_490 = tpu.memref_slice %arg3[%add3A_484] : memref<800000xi32, #tpu.memory_space<hbm>> -> memref<200xi32, #tpu.memory_space<hbm>>
          %dma_wait3A_491 = tpu.memref_slice %arg3[%add3A_484] : memref<800000xi32, #tpu.memory_space<hbm>> -> memref<200xi32, #tpu.memory_space<hbm>>
          tpu.wait_dma2 semaphore(%run_scoped3A : memref<!tpu.dma_semaphore, #tpu.memory_space<semaphore_mem>>) src(%dma_wait3A_491 : memref<200xi32, #tpu.memory_space<hbm>>) dst(%arg6 : memref<200xi32, #tpu.memory_space<vmem>>)
          tpu.yield
        }) : () -> ()
        %dma_start3A_485 = arith.constant 0 : i32
        %dma_start3A_486 = arith.constant 0 : i32
        %dma_start3A_487 = tpu.memref_slice %arg2[%dma_start3A_485, %dma_start3A_486] : memref<100000x128xf32, #tpu.memory_space<hbm>> -> memref<100000x128xf32, #tpu.memory_space<hbm>>
        tpu.enqueue_indirect_dma source(%dma_start3A_487 : memref<100000x128xf32, #tpu.memory_space<hbm>>) target(%arg9 : memref<200x128xf32, #tpu.memory_space<vmem>>) offsets(%arg6 : memref<200xi32, #tpu.memory_space<vmem>>) semaphore(%arg13 : memref<!tpu.dma_semaphore, #tpu.memory_space<semaphore_mem>>)
      } else {
      }
      %ge3A_458 = arith.constant 1 : i32
      %ge3A_459 = arith.cmpi sge, %add3A_445, %ge3A_458 : i32
      %convert_element_type3A_460 = arith.extui %ge3A_459 : i1 to i32
      %cond3A_461 = arith.constant 0 : i32
      %cond3A_462 = arith.cmpi ne, %convert_element_type3A_460, %cond3A_461 : i32
      scf.if %cond3A_462 {
        %sub3A = arith.constant 1 : i32
        %sub3A_480 = arith.subi %add3A_445, %sub3A : i32
        %mul3A_481 = arith.constant 200 : i32
        %mul3A_482 = arith.muli %sub3A_480, %mul3A_481 : i32
        %add3A_483 = arith.addi %mul3A_2, %mul3A_482 : i32
        %dma_start3A_484 = arith.constant 0 : i32
        %dma_start3A_485 = arith.constant 0 : i32
        %dma_start3A_486 = tpu.memref_slice %arg4[%add3A_483, %dma_start3A_485] : memref<800000x128xf32, #tpu.memory_space<hbm>> -> memref<200x128xf32, #tpu.memory_space<hbm>>
        %dma_start3A_487 = arith.constant 0 : i32
        %dma_start3A_488 = arith.constant 0 : i32
        %dma_start3A_489 = tpu.memref_slice %arg11[%arg1, %dma_start3A_484, %dma_start3A_487, %dma_start3A_488] : memref<16x2x200x128xf32, #tpu.memory_space<vmem_shared>> -> memref<1x1x200x128xf32, #tpu.memory_space<vmem_shared>>
        %dma_start3A_490 = tpu.memref_squeeze %dma_start3A_489 : memref<1x1x200x128xf32, #tpu.memory_space<vmem_shared>> -> memref<200x128xf32, #tpu.memory_space<vmem_shared>>
        tpu.enqueue_dma source(%dma_start3A_490 : memref<200x128xf32, #tpu.memory_space<vmem_shared>>) target(%dma_start3A_486 : memref<200x128xf32, #tpu.memory_space<hbm>>) target_semaphore(%arg17 : memref<!tpu.dma_semaphore, #tpu.memory_space<semaphore_mem>>)
      } else {
      }
      %ge3A_463 = arith.constant 2 : i32
      %ge3A_464 = arith.cmpi sge, %add3A_445, %ge3A_463 : i32
      %convert_element_type3A_465 = arith.extui %ge3A_464 : i1 to i32
      %cond3A_466 = arith.constant 0 : i32
      %cond3A_467 = arith.cmpi ne, %convert_element_type3A_465, %cond3A_466 : i32
      scf.if %cond3A_467 {
        %dma_wait3A_480 = arith.constant 1 : i32
        %dma_wait3A_481 = arith.constant 0 : i32
        %dma_wait3A_482 = arith.constant 0 : i32
        %dma_wait3A_483 = tpu.memref_slice %arg4[%dma_wait3A_481, %dma_wait3A_482] : memref<800000x128xf32, #tpu.memory_space<hbm>> -> memref<200x128xf32, #tpu.memory_space<hbm>>
        %dma_wait3A_484 = arith.constant 0 : i32
        %dma_wait3A_485 = arith.constant 0 : i32
        %dma_wait3A_486 = tpu.memref_slice %arg11[%arg1, %dma_wait3A_480, %dma_wait3A_484, %dma_wait3A_485] : memref<16x2x200x128xf32, #tpu.memory_space<vmem_shared>> -> memref<1x1x200x128xf32, #tpu.memory_space<vmem_shared>>
        %dma_wait3A_487 = tpu.memref_squeeze %dma_wait3A_486 : memref<1x1x200x128xf32, #tpu.memory_space<vmem_shared>> -> memref<200x128xf32, #tpu.memory_space<vmem_shared>>
        tpu.wait_dma2 semaphore(%arg18 : memref<!tpu.dma_semaphore, #tpu.memory_space<semaphore_mem>>) src(%dma_wait3A_487 : memref<200x128xf32, #tpu.memory_space<vmem_shared>>) dst(%dma_wait3A_483 : memref<200x128xf32, #tpu.memory_space<hbm>>)
      } else {
      }
      %dma_wait3A_468 = arith.constant 0 : i32
      %dma_wait3A_469 = arith.constant 0 : i32
      %dma_wait3A_470 = tpu.memref_slice %arg2[%dma_wait3A_468, %dma_wait3A_469] : memref<100000x128xf32, #tpu.memory_space<hbm>> -> memref<100000x128xf32, #tpu.memory_space<hbm>>
      tpu.wait_indirect_dma semaphore(%arg14 : memref<!tpu.dma_semaphore, #tpu.memory_space<semaphore_mem>>) src(%dma_wait3A_470 : memref<100000x128xf32, #tpu.memory_space<hbm>>) dst(%arg10 : memref<200x128xf32, #tpu.memory_space<vmem>>)
      %dma_start3A_471 = arith.constant 1 : i32
      %dma_start3A_472 = arith.constant 0 : i32
      %dma_start3A_473 = arith.constant 0 : i32
      %dma_start3A_474 = tpu.memref_slice %arg11[%arg1, %dma_start3A_471, %dma_start3A_472, %dma_start3A_473] : memref<16x2x200x128xf32, #tpu.memory_space<vmem_shared>> -> memref<1x1x200x128xf32, #tpu.memory_space<vmem_shared>>
      %dma_start3A_475 = tpu.memref_squeeze %dma_start3A_474 : memref<1x1x200x128xf32, #tpu.memory_space<vmem_shared>> -> memref<200x128xf32, #tpu.memory_space<vmem_shared>>
      %dma_start3A_476 = arith.constant 0 : i32
      %dma_start3A_477 = arith.constant 0 : i32
      %dma_start3A_478 = tpu.memref_slice %arg11[%arg1, %dma_start3A_471, %dma_start3A_476, %dma_start3A_477] : memref<16x2x200x128xf32, #tpu.memory_space<vmem_shared>> -> memref<1x1x200x128xf32, #tpu.memory_space<vmem_shared>>
      %dma_start3A_479 = tpu.memref_squeeze %dma_start3A_478 : memref<1x1x200x128xf32, #tpu.memory_space<vmem_shared>> -> memref<200x128xf32, #tpu.memory_space<vmem_shared>>
      tpu.enqueue_dma source(%arg10 : memref<200x128xf32, #tpu.memory_space<vmem>>) target(%dma_start3A_479 : memref<200x128xf32, #tpu.memory_space<vmem_shared>>) target_semaphore(%arg16 : memref<!tpu.dma_semaphore, #tpu.memory_space<semaphore_mem>>)
    }
    %scan3A_16 = arith.constant 20 : i32
    %dma_wait3A = arith.constant 1 : i32
    %dma_wait3A_17 = arith.constant 0 : i32
    %dma_wait3A_18 = arith.constant 0 : i32
    %dma_wait3A_19 = tpu.memref_slice %arg11[%arg1, %dma_wait3A, %dma_wait3A_17, %dma_wait3A_18] : memref<16x2x200x128xf32, #tpu.memory_space<vmem_shared>> -> memref<1x1x200x128xf32, #tpu.memory_space<vmem_shared>>
    %dma_wait3A_20 = tpu.memref_squeeze %dma_wait3A_19 : memref<1x1x200x128xf32, #tpu.memory_space<vmem_shared>> -> memref<200x128xf32, #tpu.memory_space<vmem_shared>>
    %dma_wait3A_21 = arith.constant 0 : i32
    %dma_wait3A_22 = arith.constant 0 : i32
    %dma_wait3A_23 = tpu.memref_slice %arg11[%arg1, %dma_wait3A, %dma_wait3A_21, %dma_wait3A_22] : memref<16x2x200x128xf32, #tpu.memory_space<vmem_shared>> -> memref<1x1x200x128xf32, #tpu.memory_space<vmem_shared>>
    %dma_wait3A_24 = tpu.memref_squeeze %dma_wait3A_23 : memref<1x1x200x128xf32, #tpu.memory_space<vmem_shared>> -> memref<200x128xf32, #tpu.memory_space<vmem_shared>>
    tpu.wait_dma2 semaphore(%arg16 : memref<!tpu.dma_semaphore, #tpu.memory_space<semaphore_mem>>) src(%arg10 : memref<200x128xf32, #tpu.memory_space<vmem>>) dst(%dma_wait3A_24 : memref<200x128xf32, #tpu.memory_space<vmem_shared>>)
    %add3A_25 = arith.constant 24400 : i32
    %add3A_26 = arith.addi %mul3A_2, %add3A_25 : i32
    "tpu.region"() ({
      %run_scoped3A = tpu.sem_alloc : memref<!tpu.dma_semaphore, #tpu.memory_space<semaphore_mem>>
      %dma_start3A_255 = tpu.memref_slice %arg3[%add3A_26] : memref<800000xi32, #tpu.memory_space<hbm>> -> memref<200xi32, #tpu.memory_space<hbm>>
      %dma_start3A_256 = tpu.memref_slice %arg3[%add3A_26] : memref<800000xi32, #tpu.memory_space<hbm>> -> memref<200xi32, #tpu.memory_space<hbm>>
      tpu.enqueue_dma source(%dma_start3A_256 : memref<200xi32, #tpu.memory_space<hbm>>) target(%arg7 : memref<200xi32, #tpu.memory_space<vmem>>) target_semaphore(%run_scoped3A : memref<!tpu.dma_semaphore, #tpu.memory_space<semaphore_mem>>)
      %dma_wait3A_257 = tpu.memref_slice %arg3[%add3A_26] : memref<800000xi32, #tpu.memory_space<hbm>> -> memref<200xi32, #tpu.memory_space<hbm>>
      %dma_wait3A_258 = tpu.memref_slice %arg3[%add3A_26] : memref<800000xi32, #tpu.memory_space<hbm>> -> memref<200xi32, #tpu.memory_space<hbm>>
      tpu.wait_dma2 semaphore(%run_scoped3A : memref<!tpu.dma_semaphore, #tpu.memory_space<semaphore_mem>>) src(%dma_wait3A_258 : memref<200xi32, #tpu.memory_space<hbm>>) dst(%arg7 : memref<200xi32, #tpu.memory_space<vmem>>)
      tpu.yield
    }) : () -> ()
    %dma_start3A_27 = arith.constant 0 : i32
    %dma_start3A_28 = arith.constant 0 : i32
    %dma_start3A_29 = tpu.memref_slice %arg2[%dma_start3A_27, %dma_start3A_28] : memref<100000x128xf32, #tpu.memory_space<hbm>> -> memref<100000x128xf32, #tpu.memory_space<hbm>>
    tpu.enqueue_indirect_dma source(%dma_start3A_29 : memref<100000x128xf32, #tpu.memory_space<hbm>>) target(%arg10 : memref<200x128xf32, #tpu.memory_space<vmem>>) offsets(%arg7 : memref<200xi32, #tpu.memory_space<vmem>>) semaphore(%arg14 : memref<!tpu.dma_semaphore, #tpu.memory_space<semaphore_mem>>)
    %add3A_30 = arith.constant 23800 : i32
    %add3A_31 = arith.addi %mul3A_2, %add3A_30 : i32
    %dma_start3A_32 = arith.constant 1 : i32
    %dma_start3A_33 = arith.constant 0 : i32
    %dma_start3A_34 = tpu.memref_slice %arg4[%add3A_31, %dma_start3A_33] : memref<800000x128xf32, #tpu.memory_space<hbm>> -> memref<200x128xf32, #tpu.memory_space<hbm>>
    %dma_start3A_35 = arith.constant 0 : i32
    %dma_start3A_36 = arith.constant 0 : i32
    %dma_start3A_37 = tpu.memref_slice %arg11[%arg1, %dma_start3A_32, %dma_start3A_35, %dma_start3A_36] : memref<16x2x200x128xf32, #tpu.memory_space<vmem_shared>> -> memref<1x1x200x128xf32, #tpu.memory_space<vmem_shared>>
    %dma_start3A_38 = tpu.memref_squeeze %dma_start3A_37 : memref<1x1x200x128xf32, #tpu.memory_space<vmem_shared>> -> memref<200x128xf32, #tpu.memory_space<vmem_shared>>
    tpu.enqueue_dma source(%dma_start3A_38 : memref<200x128xf32, #tpu.memory_space<vmem_shared>>) target(%dma_start3A_34 : memref<200x128xf32, #tpu.memory_space<hbm>>) target_semaphore(%arg18 : memref<!tpu.dma_semaphore, #tpu.memory_space<semaphore_mem>>)
    %dma_wait3A_39 = arith.constant 0 : i32
    %dma_wait3A_40 = arith.constant 0 : i32
    %dma_wait3A_41 = arith.constant 0 : i32
    %dma_wait3A_42 = tpu.memref_slice %arg4[%dma_wait3A_40, %dma_wait3A_41] : memref<800000x128xf32, #tpu.memory_space<hbm>> -> memref<200x128xf32, #tpu.memory_space<hbm>>
    %dma_wait3A_43 = arith.constant 0 : i32
    %dma_wait3A_44 = arith.constant 0 : i32
    %dma_wait3A_45 = tpu.memref_slice %arg11[%arg1, %dma_wait3A_39, %dma_wait3A_43, %dma_wait3A_44] : memref<16x2x200x128xf32, #tpu.memory_space<vmem_shared>> -> memref<1x1x200x128xf32, #tpu.memory_space<vmem_shared>>
    %dma_wait3A_46 = tpu.memref_squeeze %dma_wait3A_45 : memref<1x1x200x128xf32, #tpu.memory_space<vmem_shared>> -> memref<200x128xf32, #tpu.memory_space<vmem_shared>>
    tpu.wait_dma2 semaphore(%arg17 : memref<!tpu.dma_semaphore, #tpu.memory_space<semaphore_mem>>) src(%dma_wait3A_46 : memref<200x128xf32, #tpu.memory_space<vmem_shared>>) dst(%dma_wait3A_42 : memref<200x128xf32, #tpu.memory_space<hbm>>)
    %dma_wait3A_47 = arith.constant 0 : i32
    %dma_wait3A_48 = arith.constant 0 : i32
    %dma_wait3A_49 = tpu.memref_slice %arg2[%dma_wait3A_47, %dma_wait3A_48] : memref<100000x128xf32, #tpu.memory_space<hbm>> -> memref<100000x128xf32, #tpu.memory_space<hbm>>
    tpu.wait_indirect_dma semaphore(%arg12 : memref<!tpu.dma_semaphore, #tpu.memory_space<semaphore_mem>>) src(%dma_wait3A_49 : memref<100000x128xf32, #tpu.memory_space<hbm>>) dst(%arg8 : memref<200x128xf32, #tpu.memory_space<vmem>>)
    %dma_start3A_50 = arith.constant 0 : i32
    %dma_start3A_51 = arith.constant 0 : i32
    %dma_start3A_52 = arith.constant 0 : i32
    %dma_start3A_53 = tpu.memref_slice %arg11[%arg1, %dma_start3A_50, %dma_start3A_51, %dma_start3A_52] : memref<16x2x200x128xf32, #tpu.memory_space<vmem_shared>> -> memref<1x1x200x128xf32, #tpu.memory_space<vmem_shared>>
    %dma_start3A_54 = tpu.memref_squeeze %dma_start3A_53 : memref<1x1x200x128xf32, #tpu.memory_space<vmem_shared>> -> memref<200x128xf32, #tpu.memory_space<vmem_shared>>
    %dma_start3A_55 = arith.constant 0 : i32
    %dma_start3A_56 = arith.constant 0 : i32
    %dma_start3A_57 = tpu.memref_slice %arg11[%arg1, %dma_start3A_50, %dma_start3A_55, %dma_start3A_56] : memref<16x2x200x128xf32, #tpu.memory_space<vmem_shared>> -> memref<1x1x200x128xf32, #tpu.memory_space<vmem_shared>>
    %dma_start3A_58 = tpu.memref_squeeze %dma_start3A_57 : memref<1x1x200x128xf32, #tpu.memory_space<vmem_shared>> -> memref<200x128xf32, #tpu.memory_space<vmem_shared>>
    tpu.enqueue_dma source(%arg8 : memref<200x128xf32, #tpu.memory_space<vmem>>) target(%dma_start3A_58 : memref<200x128xf32, #tpu.memory_space<vmem_shared>>) target_semaphore(%arg15 : memref<!tpu.dma_semaphore, #tpu.memory_space<semaphore_mem>>)
    %dma_wait3A_59 = arith.constant 0 : i32
    %dma_wait3A_60 = arith.constant 0 : i32
    %dma_wait3A_61 = arith.constant 0 : i32
    %dma_wait3A_62 = tpu.memref_slice %arg11[%arg1, %dma_wait3A_59, %dma_wait3A_60, %dma_wait3A_61] : memref<16x2x200x128xf32, #tpu.memory_space<vmem_shared>> -> memref<1x1x200x128xf32, #tpu.memory_space<vmem_shared>>
    %dma_wait3A_63 = tpu.memref_squeeze %dma_wait3A_62 : memref<1x1x200x128xf32, #tpu.memory_space<vmem_shared>> -> memref<200x128xf32, #tpu.memory_space<vmem_shared>>
    %dma_wait3A_64 = arith.constant 0 : i32
    %dma_wait3A_65 = arith.constant 0 : i32
    %dma_wait3A_66 = tpu.memref_slice %arg11[%arg1, %dma_wait3A_59, %dma_wait3A_64, %dma_wait3A_65] : memref<16x2x200x128xf32, #tpu.memory_space<vmem_shared>> -> memref<1x1x200x128xf32, #tpu.memory_space<vmem_shared>>
    %dma_wait3A_67 = tpu.memref_squeeze %dma_wait3A_66 : memref<1x1x200x128xf32, #tpu.memory_space<vmem_shared>> -> memref<200x128xf32, #tpu.memory_space<vmem_shared>>
    tpu.wait_dma2 semaphore(%arg15 : memref<!tpu.dma_semaphore, #tpu.memory_space<semaphore_mem>>) src(%arg8 : memref<200x128xf32, #tpu.memory_space<vmem>>) dst(%dma_wait3A_67 : memref<200x128xf32, #tpu.memory_space<vmem_shared>>)
    %add3A_68 = arith.constant 24600 : i32
    %add3A_69 = arith.addi %mul3A_2, %add3A_68 : i32
    "tpu.region"() ({
      %run_scoped3A = tpu.sem_alloc : memref<!tpu.dma_semaphore, #tpu.memory_space<semaphore_mem>>
      %dma_start3A_255 = tpu.memref_slice %arg3[%add3A_69] : memref<800000xi32, #tpu.memory_space<hbm>> -> memref<200xi32, #tpu.memory_space<hbm>>
      %dma_start3A_256 = tpu.memref_slice %arg3[%add3A_69] : memref<800000xi32, #tpu.memory_space<hbm>> -> memref<200xi32, #tpu.memory_space<hbm>>
      tpu.enqueue_dma source(%dma_start3A_256 : memref<200xi32, #tpu.memory_space<hbm>>) target(%arg5 : memref<200xi32, #tpu.memory_space<vmem>>) target_semaphore(%run_scoped3A : memref<!tpu.dma_semaphore, #tpu.memory_space<semaphore_mem>>)
      %dma_wait3A_257 = tpu.memref_slice %arg3[%add3A_69] : memref<800000xi32, #tpu.memory_space<hbm>> -> memref<200xi32, #tpu.memory_space<hbm>>
      %dma_wait3A_258 = tpu.memref_slice %arg3[%add3A_69] : memref<800000xi32, #tpu.memory_space<hbm>> -> memref<200xi32, #tpu.memory_space<hbm>>
      tpu.wait_dma2 semaphore(%run_scoped3A : memref<!tpu.dma_semaphore, #tpu.memory_space<semaphore_mem>>) src(%dma_wait3A_258 : memref<200xi32, #tpu.memory_space<hbm>>) dst(%arg5 : memref<200xi32, #tpu.memory_space<vmem>>)
      tpu.yield
    }) : () -> ()
    %dma_start3A_70 = arith.constant 0 : i32
    %dma_start3A_71 = arith.constant 0 : i32
    %dma_start3A_72 = tpu.memref_slice %arg2[%dma_start3A_70, %dma_start3A_71] : memref<100000x128xf32, #tpu.memory_space<hbm>> -> memref<100000x128xf32, #tpu.memory_space<hbm>>
    tpu.enqueue_indirect_dma source(%dma_start3A_72 : memref<100000x128xf32, #tpu.memory_space<hbm>>) target(%arg8 : memref<200x128xf32, #tpu.memory_space<vmem>>) offsets(%arg5 : memref<200xi32, #tpu.memory_space<vmem>>) semaphore(%arg12 : memref<!tpu.dma_semaphore, #tpu.memory_space<semaphore_mem>>)
    %add3A_73 = arith.constant 24000 : i32
    %add3A_74 = arith.addi %mul3A_2, %add3A_73 : i32
    %dma_start3A_75 = arith.constant 0 : i32
    %dma_start3A_76 = arith.constant 0 : i32
    %dma_start3A_77 = tpu.memref_slice %arg4[%add3A_74, %dma_start3A_76] : memref<800000x128xf32, #tpu.memory_space<hbm>> -> memref<200x128xf32, #tpu.memory_space<hbm>>
    %dma_start3A_78 = arith.constant 0 : i32
    %dma_start3A_79 = arith.constant 0 : i32
    %dma_start3A_80 = tpu.memref_slice %arg11[%arg1, %dma_start3A_75, %dma_start3A_78, %dma_start3A_79] : memref<16x2x200x128xf32, #tpu.memory_space<vmem_shared>> -> memref<1x1x200x128xf32, #tpu.memory_space<vmem_shared>>
    %dma_start3A_81 = tpu.memref_squeeze %dma_start3A_80 : memref<1x1x200x128xf32, #tpu.memory_space<vmem_shared>> -> memref<200x128xf32, #tpu.memory_space<vmem_shared>>
    tpu.enqueue_dma source(%dma_start3A_81 : memref<200x128xf32, #tpu.memory_space<vmem_shared>>) target(%dma_start3A_77 : memref<200x128xf32, #tpu.memory_space<hbm>>) target_semaphore(%arg17 : memref<!tpu.dma_semaphore, #tpu.memory_space<semaphore_mem>>)
    %dma_wait3A_82 = arith.constant 1 : i32
    %dma_wait3A_83 = arith.constant 0 : i32
    %dma_wait3A_84 = arith.constant 0 : i32
    %dma_wait3A_85 = tpu.memref_slice %arg4[%dma_wait3A_83, %dma_wait3A_84] : memref<800000x128xf32, #tpu.memory_space<hbm>> -> memref<200x128xf32, #tpu.memory_space<hbm>>
    %dma_wait3A_86 = arith.constant 0 : i32
    %dma_wait3A_87 = arith.constant 0 : i32
    %dma_wait3A_88 = tpu.memref_slice %arg11[%arg1, %dma_wait3A_82, %dma_wait3A_86, %dma_wait3A_87] : memref<16x2x200x128xf32, #tpu.memory_space<vmem_shared>> -> memref<1x1x200x128xf32, #tpu.memory_space<vmem_shared>>
    %dma_wait3A_89 = tpu.memref_squeeze %dma_wait3A_88 : memref<1x1x200x128xf32, #tpu.memory_space<vmem_shared>> -> memref<200x128xf32, #tpu.memory_space<vmem_shared>>
    tpu.wait_dma2 semaphore(%arg18 : memref<!tpu.dma_semaphore, #tpu.memory_space<semaphore_mem>>) src(%dma_wait3A_89 : memref<200x128xf32, #tpu.memory_space<vmem_shared>>) dst(%dma_wait3A_85 : memref<200x128xf32, #tpu.memory_space<hbm>>)
    %dma_wait3A_90 = arith.constant 0 : i32
    %dma_wait3A_91 = arith.constant 0 : i32
    %dma_wait3A_92 = tpu.memref_slice %arg2[%dma_wait3A_90, %dma_wait3A_91] : memref<100000x128xf32, #tpu.memory_space<hbm>> -> memref<100000x128xf32, #tpu.memory_space<hbm>>
    tpu.wait_indirect_dma semaphore(%arg13 : memref<!tpu.dma_semaphore, #tpu.memory_space<semaphore_mem>>) src(%dma_wait3A_92 : memref<100000x128xf32, #tpu.memory_space<hbm>>) dst(%arg9 : memref<200x128xf32, #tpu.memory_space<vmem>>)
    %dma_start3A_93 = arith.constant 1 : i32
    %dma_start3A_94 = arith.constant 0 : i32
    %dma_start3A_95 = arith.constant 0 : i32
    %dma_start3A_96 = tpu.memref_slice %arg11[%arg1, %dma_start3A_93, %dma_start3A_94, %dma_start3A_95] : memref<16x2x200x128xf32, #tpu.memory_space<vmem_shared>> -> memref<1x1x200x128xf32, #tpu.memory_space<vmem_shared>>
    %dma_start3A_97 = tpu.memref_squeeze %dma_start3A_96 : memref<1x1x200x128xf32, #tpu.memory_space<vmem_shared>> -> memref<200x128xf32, #tpu.memory_space<vmem_shared>>
    %dma_start3A_98 = arith.constant 0 : i32
    %dma_start3A_99 = arith.constant 0 : i32
    %dma_start3A_100 = tpu.memref_slice %arg11[%arg1, %dma_start3A_93, %dma_start3A_98, %dma_start3A_99] : memref<16x2x200x128xf32, #tpu.memory_space<vmem_shared>> -> memref<1x1x200x128xf32, #tpu.memory_space<vmem_shared>>
    %dma_start3A_101 = tpu.memref_squeeze %dma_start3A_100 : memref<1x1x200x128xf32, #tpu.memory_space<vmem_shared>> -> memref<200x128xf32, #tpu.memory_space<vmem_shared>>
    tpu.enqueue_dma source(%arg9 : memref<200x128xf32, #tpu.memory_space<vmem>>) target(%dma_start3A_101 : memref<200x128xf32, #tpu.memory_space<vmem_shared>>) target_semaphore(%arg16 : memref<!tpu.dma_semaphore, #tpu.memory_space<semaphore_mem>>)
    %dma_wait3A_102 = arith.constant 1 : i32
    %dma_wait3A_103 = arith.constant 0 : i32
    %dma_wait3A_104 = arith.constant 0 : i32
    %dma_wait3A_105 = tpu.memref_slice %arg11[%arg1, %dma_wait3A_102, %dma_wait3A_103, %dma_wait3A_104] : memref<16x2x200x128xf32, #tpu.memory_space<vmem_shared>> -> memref<1x1x200x128xf32, #tpu.memory_space<vmem_shared>>
    %dma_wait3A_106 = tpu.memref_squeeze %dma_wait3A_105 : memref<1x1x200x128xf32, #tpu.memory_space<vmem_shared>> -> memref<200x128xf32, #tpu.memory_space<vmem_shared>>
    %dma_wait3A_107 = arith.constant 0 : i32
    %dma_wait3A_108 = arith.constant 0 : i32
    %dma_wait3A_109 = tpu.memref_slice %arg11[%arg1, %dma_wait3A_102, %dma_wait3A_107, %dma_wait3A_108] : memref<16x2x200x128xf32, #tpu.memory_space<vmem_shared>> -> memref<1x1x200x128xf32, #tpu.memory_space<vmem_shared>>
    %dma_wait3A_110 = tpu.memref_squeeze %dma_wait3A_109 : memref<1x1x200x128xf32, #tpu.memory_space<vmem_shared>> -> memref<200x128xf32, #tpu.memory_space<vmem_shared>>
    tpu.wait_dma2 semaphore(%arg16 : memref<!tpu.dma_semaphore, #tpu.memory_space<semaphore_mem>>) src(%arg9 : memref<200x128xf32, #tpu.memory_space<vmem>>) dst(%dma_wait3A_110 : memref<200x128xf32, #tpu.memory_space<vmem_shared>>)
    %add3A_111 = arith.constant 24800 : i32
    %add3A_112 = arith.addi %mul3A_2, %add3A_111 : i32
    "tpu.region"() ({
      %run_scoped3A = tpu.sem_alloc : memref<!tpu.dma_semaphore, #tpu.memory_space<semaphore_mem>>
      %dma_start3A_255 = tpu.memref_slice %arg3[%add3A_112] : memref<800000xi32, #tpu.memory_space<hbm>> -> memref<200xi32, #tpu.memory_space<hbm>>
      %dma_start3A_256 = tpu.memref_slice %arg3[%add3A_112] : memref<800000xi32, #tpu.memory_space<hbm>> -> memref<200xi32, #tpu.memory_space<hbm>>
      tpu.enqueue_dma source(%dma_start3A_256 : memref<200xi32, #tpu.memory_space<hbm>>) target(%arg6 : memref<200xi32, #tpu.memory_space<vmem>>) target_semaphore(%run_scoped3A : memref<!tpu.dma_semaphore, #tpu.memory_space<semaphore_mem>>)
      %dma_wait3A_257 = tpu.memref_slice %arg3[%add3A_112] : memref<800000xi32, #tpu.memory_space<hbm>> -> memref<200xi32, #tpu.memory_space<hbm>>
      %dma_wait3A_258 = tpu.memref_slice %arg3[%add3A_112] : memref<800000xi32, #tpu.memory_space<hbm>> -> memref<200xi32, #tpu.memory_space<hbm>>
      tpu.wait_dma2 semaphore(%run_scoped3A : memref<!tpu.dma_semaphore, #tpu.memory_space<semaphore_mem>>) src(%dma_wait3A_258 : memref<200xi32, #tpu.memory_space<hbm>>) dst(%arg6 : memref<200xi32, #tpu.memory_space<vmem>>)
      tpu.yield
    }) : () -> ()
    %dma_start3A_113 = arith.constant 0 : i32
    %dma_start3A_114 = arith.constant 0 : i32
    %dma_start3A_115 = tpu.memref_slice %arg2[%dma_start3A_113, %dma_start3A_114] : memref<100000x128xf32, #tpu.memory_space<hbm>> -> memref<100000x128xf32, #tpu.memory_space<hbm>>
    tpu.enqueue_indirect_dma source(%dma_start3A_115 : memref<100000x128xf32, #tpu.memory_space<hbm>>) target(%arg9 : memref<200x128xf32, #tpu.memory_space<vmem>>) offsets(%arg6 : memref<200xi32, #tpu.memory_space<vmem>>) semaphore(%arg13 : memref<!tpu.dma_semaphore, #tpu.memory_space<semaphore_mem>>)
    %add3A_116 = arith.constant 24200 : i32
    %add3A_117 = arith.addi %mul3A_2, %add3A_116 : i32
    %dma_start3A_118 = arith.constant 1 : i32
    %dma_start3A_119 = arith.constant 0 : i32
    %dma_start3A_120 = tpu.memref_slice %arg4[%add3A_117, %dma_start3A_119] : memref<800000x128xf32, #tpu.memory_space<hbm>> -> memref<200x128xf32, #tpu.memory_space<hbm>>
    %dma_start3A_121 = arith.constant 0 : i32
    %dma_start3A_122 = arith.constant 0 : i32
    %dma_start3A_123 = tpu.memref_slice %arg11[%arg1, %dma_start3A_118, %dma_start3A_121, %dma_start3A_122] : memref<16x2x200x128xf32, #tpu.memory_space<vmem_shared>> -> memref<1x1x200x128xf32, #tpu.memory_space<vmem_shared>>
    %dma_start3A_124 = tpu.memref_squeeze %dma_start3A_123 : memref<1x1x200x128xf32, #tpu.memory_space<vmem_shared>> -> memref<200x128xf32, #tpu.memory_space<vmem_shared>>
    tpu.enqueue_dma source(%dma_start3A_124 : memref<200x128xf32, #tpu.memory_space<vmem_shared>>) target(%dma_start3A_120 : memref<200x128xf32, #tpu.memory_space<hbm>>) target_semaphore(%arg18 : memref<!tpu.dma_semaphore, #tpu.memory_space<semaphore_mem>>)
    %dma_wait3A_125 = arith.constant 0 : i32
    %dma_wait3A_126 = arith.constant 0 : i32
    %dma_wait3A_127 = arith.constant 0 : i32
    %dma_wait3A_128 = tpu.memref_slice %arg4[%dma_wait3A_126, %dma_wait3A_127] : memref<800000x128xf32, #tpu.memory_space<hbm>> -> memref<200x128xf32, #tpu.memory_space<hbm>>
    %dma_wait3A_129 = arith.constant 0 : i32
    %dma_wait3A_130 = arith.constant 0 : i32
    %dma_wait3A_131 = tpu.memref_slice %arg11[%arg1, %dma_wait3A_125, %dma_wait3A_129, %dma_wait3A_130] : memref<16x2x200x128xf32, #tpu.memory_space<vmem_shared>> -> memref<1x1x200x128xf32, #tpu.memory_space<vmem_shared>>
    %dma_wait3A_132 = tpu.memref_squeeze %dma_wait3A_131 : memref<1x1x200x128xf32, #tpu.memory_space<vmem_shared>> -> memref<200x128xf32, #tpu.memory_space<vmem_shared>>
    tpu.wait_dma2 semaphore(%arg17 : memref<!tpu.dma_semaphore, #tpu.memory_space<semaphore_mem>>) src(%dma_wait3A_132 : memref<200x128xf32, #tpu.memory_space<vmem_shared>>) dst(%dma_wait3A_128 : memref<200x128xf32, #tpu.memory_space<hbm>>)
    %dma_wait3A_133 = arith.constant 0 : i32
    %dma_wait3A_134 = arith.constant 0 : i32
    %dma_wait3A_135 = tpu.memref_slice %arg2[%dma_wait3A_133, %dma_wait3A_134] : memref<100000x128xf32, #tpu.memory_space<hbm>> -> memref<100000x128xf32, #tpu.memory_space<hbm>>
    tpu.wait_indirect_dma semaphore(%arg14 : memref<!tpu.dma_semaphore, #tpu.memory_space<semaphore_mem>>) src(%dma_wait3A_135 : memref<100000x128xf32, #tpu.memory_space<hbm>>) dst(%arg10 : memref<200x128xf32, #tpu.memory_space<vmem>>)
    %dma_start3A_136 = arith.constant 0 : i32
    %dma_start3A_137 = arith.constant 0 : i32
    %dma_start3A_138 = arith.constant 0 : i32
    %dma_start3A_139 = tpu.memref_slice %arg11[%arg1, %dma_start3A_136, %dma_start3A_137, %dma_start3A_138] : memref<16x2x200x128xf32, #tpu.memory_space<vmem_shared>> -> memref<1x1x200x128xf32, #tpu.memory_space<vmem_shared>>
    %dma_start3A_140 = tpu.memref_squeeze %dma_start3A_139 : memref<1x1x200x128xf32, #tpu.memory_space<vmem_shared>> -> memref<200x128xf32, #tpu.memory_space<vmem_shared>>
    %dma_start3A_141 = arith.constant 0 : i32
    %dma_start3A_142 = arith.constant 0 : i32
    %dma_start3A_143 = tpu.memref_slice %arg11[%arg1, %dma_start3A_136, %dma_start3A_141, %dma_start3A_142] : memref<16x2x200x128xf32, #tpu.memory_space<vmem_shared>> -> memref<1x1x200x128xf32, #tpu.memory_space<vmem_shared>>
    %dma_start3A_144 = tpu.memref_squeeze %dma_start3A_143 : memref<1x1x200x128xf32, #tpu.memory_space<vmem_shared>> -> memref<200x128xf32, #tpu.memory_space<vmem_shared>>
    tpu.enqueue_dma source(%arg10 : memref<200x128xf32, #tpu.memory_space<vmem>>) target(%dma_start3A_144 : memref<200x128xf32, #tpu.memory_space<vmem_shared>>) target_semaphore(%arg15 : memref<!tpu.dma_semaphore, #tpu.memory_space<semaphore_mem>>)
    %dma_wait3A_145 = arith.constant 0 : i32
    %dma_wait3A_146 = arith.constant 0 : i32
    %dma_wait3A_147 = arith.constant 0 : i32
    %dma_wait3A_148 = tpu.memref_slice %arg11[%arg1, %dma_wait3A_145, %dma_wait3A_146, %dma_wait3A_147] : memref<16x2x200x128xf32, #tpu.memory_space<vmem_shared>> -> memref<1x1x200x128xf32, #tpu.memory_space<vmem_shared>>
    %dma_wait3A_149 = tpu.memref_squeeze %dma_wait3A_148 : memref<1x1x200x128xf32, #tpu.memory_space<vmem_shared>> -> memref<200x128xf32, #tpu.memory_space<vmem_shared>>
    %dma_wait3A_150 = arith.constant 0 : i32
    %dma_wait3A_151 = arith.constant 0 : i32
    %dma_wait3A_152 = tpu.memref_slice %arg11[%arg1, %dma_wait3A_145, %dma_wait3A_150, %dma_wait3A_151] : memref<16x2x200x128xf32, #tpu.memory_space<vmem_shared>> -> memref<1x1x200x128xf32, #tpu.memory_space<vmem_shared>>
    %dma_wait3A_153 = tpu.memref_squeeze %dma_wait3A_152 : memref<1x1x200x128xf32, #tpu.memory_space<vmem_shared>> -> memref<200x128xf32, #tpu.memory_space<vmem_shared>>
    tpu.wait_dma2 semaphore(%arg15 : memref<!tpu.dma_semaphore, #tpu.memory_space<semaphore_mem>>) src(%arg10 : memref<200x128xf32, #tpu.memory_space<vmem>>) dst(%dma_wait3A_153 : memref<200x128xf32, #tpu.memory_space<vmem_shared>>)
    %add3A_154 = arith.constant 24400 : i32
    %add3A_155 = arith.addi %mul3A_2, %add3A_154 : i32
    %dma_start3A_156 = arith.constant 0 : i32
    %dma_start3A_157 = arith.constant 0 : i32
    %dma_start3A_158 = tpu.memref_slice %arg4[%add3A_155, %dma_start3A_157] : memref<800000x128xf32, #tpu.memory_space<hbm>> -> memref<200x128xf32, #tpu.memory_space<hbm>>
    %dma_start3A_159 = arith.constant 0 : i32
    %dma_start3A_160 = arith.constant 0 : i32
    %dma_start3A_161 = tpu.memref_slice %arg11[%arg1, %dma_start3A_156, %dma_start3A_159, %dma_start3A_160] : memref<16x2x200x128xf32, #tpu.memory_space<vmem_shared>> -> memref<1x1x200x128xf32, #tpu.memory_space<vmem_shared>>
    %dma_start3A_162 = tpu.memref_squeeze %dma_start3A_161 : memref<1x1x200x128xf32, #tpu.memory_space<vmem_shared>> -> memref<200x128xf32, #tpu.memory_space<vmem_shared>>
    tpu.enqueue_dma source(%dma_start3A_162 : memref<200x128xf32, #tpu.memory_space<vmem_shared>>) target(%dma_start3A_158 : memref<200x128xf32, #tpu.memory_space<hbm>>) target_semaphore(%arg17 : memref<!tpu.dma_semaphore, #tpu.memory_space<semaphore_mem>>)
    %dma_wait3A_163 = arith.constant 1 : i32
    %dma_wait3A_164 = arith.constant 0 : i32
    %dma_wait3A_165 = arith.constant 0 : i32
    %dma_wait3A_166 = tpu.memref_slice %arg4[%dma_wait3A_164, %dma_wait3A_165] : memref<800000x128xf32, #tpu.memory_space<hbm>> -> memref<200x128xf32, #tpu.memory_space<hbm>>
    %dma_wait3A_167 = arith.constant 0 : i32
    %dma_wait3A_168 = arith.constant 0 : i32
    %dma_wait3A_169 = tpu.memref_slice %arg11[%arg1, %dma_wait3A_163, %dma_wait3A_167, %dma_wait3A_168] : memref<16x2x200x128xf32, #tpu.memory_space<vmem_shared>> -> memref<1x1x200x128xf32, #tpu.memory_space<vmem_shared>>
    %dma_wait3A_170 = tpu.memref_squeeze %dma_wait3A_169 : memref<1x1x200x128xf32, #tpu.memory_space<vmem_shared>> -> memref<200x128xf32, #tpu.memory_space<vmem_shared>>
    tpu.wait_dma2 semaphore(%arg18 : memref<!tpu.dma_semaphore, #tpu.memory_space<semaphore_mem>>) src(%dma_wait3A_170 : memref<200x128xf32, #tpu.memory_space<vmem_shared>>) dst(%dma_wait3A_166 : memref<200x128xf32, #tpu.memory_space<hbm>>)
    %dma_wait3A_171 = arith.constant 0 : i32
    %dma_wait3A_172 = arith.constant 0 : i32
    %dma_wait3A_173 = tpu.memref_slice %arg2[%dma_wait3A_171, %dma_wait3A_172] : memref<100000x128xf32, #tpu.memory_space<hbm>> -> memref<100000x128xf32, #tpu.memory_space<hbm>>
    tpu.wait_indirect_dma semaphore(%arg12 : memref<!tpu.dma_semaphore, #tpu.memory_space<semaphore_mem>>) src(%dma_wait3A_173 : memref<100000x128xf32, #tpu.memory_space<hbm>>) dst(%arg8 : memref<200x128xf32, #tpu.memory_space<vmem>>)
    %dma_start3A_174 = arith.constant 1 : i32
    %dma_start3A_175 = arith.constant 0 : i32
    %dma_start3A_176 = arith.constant 0 : i32
    %dma_start3A_177 = tpu.memref_slice %arg11[%arg1, %dma_start3A_174, %dma_start3A_175, %dma_start3A_176] : memref<16x2x200x128xf32, #tpu.memory_space<vmem_shared>> -> memref<1x1x200x128xf32, #tpu.memory_space<vmem_shared>>
    %dma_start3A_178 = tpu.memref_squeeze %dma_start3A_177 : memref<1x1x200x128xf32, #tpu.memory_space<vmem_shared>> -> memref<200x128xf32, #tpu.memory_space<vmem_shared>>
    %dma_start3A_179 = arith.constant 0 : i32
    %dma_start3A_180 = arith.constant 0 : i32
    %dma_start3A_181 = tpu.memref_slice %arg11[%arg1, %dma_start3A_174, %dma_start3A_179, %dma_start3A_180] : memref<16x2x200x128xf32, #tpu.memory_space<vmem_shared>> -> memref<1x1x200x128xf32, #tpu.memory_space<vmem_shared>>
    %dma_start3A_182 = tpu.memref_squeeze %dma_start3A_181 : memref<1x1x200x128xf32, #tpu.memory_space<vmem_shared>> -> memref<200x128xf32, #tpu.memory_space<vmem_shared>>
    tpu.enqueue_dma source(%arg8 : memref<200x128xf32, #tpu.memory_space<vmem>>) target(%dma_start3A_182 : memref<200x128xf32, #tpu.memory_space<vmem_shared>>) target_semaphore(%arg16 : memref<!tpu.dma_semaphore, #tpu.memory_space<semaphore_mem>>)
    %dma_wait3A_183 = arith.constant 1 : i32
    %dma_wait3A_184 = arith.constant 0 : i32
    %dma_wait3A_185 = arith.constant 0 : i32
    %dma_wait3A_186 = tpu.memref_slice %arg11[%arg1, %dma_wait3A_183, %dma_wait3A_184, %dma_wait3A_185] : memref<16x2x200x128xf32, #tpu.memory_space<vmem_shared>> -> memref<1x1x200x128xf32, #tpu.memory_space<vmem_shared>>
    %dma_wait3A_187 = tpu.memref_squeeze %dma_wait3A_186 : memref<1x1x200x128xf32, #tpu.memory_space<vmem_shared>> -> memref<200x128xf32, #tpu.memory_space<vmem_shared>>
    %dma_wait3A_188 = arith.constant 0 : i32
    %dma_wait3A_189 = arith.constant 0 : i32
    %dma_wait3A_190 = tpu.memref_slice %arg11[%arg1, %dma_wait3A_183, %dma_wait3A_188, %dma_wait3A_189] : memref<16x2x200x128xf32, #tpu.memory_space<vmem_shared>> -> memref<1x1x200x128xf32, #tpu.memory_space<vmem_shared>>
    %dma_wait3A_191 = tpu.memref_squeeze %dma_wait3A_190 : memref<1x1x200x128xf32, #tpu.memory_space<vmem_shared>> -> memref<200x128xf32, #tpu.memory_space<vmem_shared>>
    tpu.wait_dma2 semaphore(%arg16 : memref<!tpu.dma_semaphore, #tpu.memory_space<semaphore_mem>>) src(%arg8 : memref<200x128xf32, #tpu.memory_space<vmem>>) dst(%dma_wait3A_191 : memref<200x128xf32, #tpu.memory_space<vmem_shared>>)
    %add3A_192 = arith.constant 24600 : i32
    %add3A_193 = arith.addi %mul3A_2, %add3A_192 : i32
    %dma_start3A_194 = arith.constant 1 : i32
    %dma_start3A_195 = arith.constant 0 : i32
    %dma_start3A_196 = tpu.memref_slice %arg4[%add3A_193, %dma_start3A_195] : memref<800000x128xf32, #tpu.memory_space<hbm>> -> memref<200x128xf32, #tpu.memory_space<hbm>>
    %dma_start3A_197 = arith.constant 0 : i32
    %dma_start3A_198 = arith.constant 0 : i32
    %dma_start3A_199 = tpu.memref_slice %arg11[%arg1, %dma_start3A_194, %dma_start3A_197, %dma_start3A_198] : memref<16x2x200x128xf32, #tpu.memory_space<vmem_shared>> -> memref<1x1x200x128xf32, #tpu.memory_space<vmem_shared>>
    %dma_start3A_200 = tpu.memref_squeeze %dma_start3A_199 : memref<1x1x200x128xf32, #tpu.memory_space<vmem_shared>> -> memref<200x128xf32, #tpu.memory_space<vmem_shared>>
    tpu.enqueue_dma source(%dma_start3A_200 : memref<200x128xf32, #tpu.memory_space<vmem_shared>>) target(%dma_start3A_196 : memref<200x128xf32, #tpu.memory_space<hbm>>) target_semaphore(%arg18 : memref<!tpu.dma_semaphore, #tpu.memory_space<semaphore_mem>>)
    %dma_wait3A_201 = arith.constant 0 : i32
    %dma_wait3A_202 = arith.constant 0 : i32
    %dma_wait3A_203 = arith.constant 0 : i32
    %dma_wait3A_204 = tpu.memref_slice %arg4[%dma_wait3A_202, %dma_wait3A_203] : memref<800000x128xf32, #tpu.memory_space<hbm>> -> memref<200x128xf32, #tpu.memory_space<hbm>>
    %dma_wait3A_205 = arith.constant 0 : i32
    %dma_wait3A_206 = arith.constant 0 : i32
    %dma_wait3A_207 = tpu.memref_slice %arg11[%arg1, %dma_wait3A_201, %dma_wait3A_205, %dma_wait3A_206] : memref<16x2x200x128xf32, #tpu.memory_space<vmem_shared>> -> memref<1x1x200x128xf32, #tpu.memory_space<vmem_shared>>
    %dma_wait3A_208 = tpu.memref_squeeze %dma_wait3A_207 : memref<1x1x200x128xf32, #tpu.memory_space<vmem_shared>> -> memref<200x128xf32, #tpu.memory_space<vmem_shared>>
    tpu.wait_dma2 semaphore(%arg17 : memref<!tpu.dma_semaphore, #tpu.memory_space<semaphore_mem>>) src(%dma_wait3A_208 : memref<200x128xf32, #tpu.memory_space<vmem_shared>>) dst(%dma_wait3A_204 : memref<200x128xf32, #tpu.memory_space<hbm>>)
    %dma_wait3A_209 = arith.constant 0 : i32
    %dma_wait3A_210 = arith.constant 0 : i32
    %dma_wait3A_211 = tpu.memref_slice %arg2[%dma_wait3A_209, %dma_wait3A_210] : memref<100000x128xf32, #tpu.memory_space<hbm>> -> memref<100000x128xf32, #tpu.memory_space<hbm>>
    tpu.wait_indirect_dma semaphore(%arg13 : memref<!tpu.dma_semaphore, #tpu.memory_space<semaphore_mem>>) src(%dma_wait3A_211 : memref<100000x128xf32, #tpu.memory_space<hbm>>) dst(%arg9 : memref<200x128xf32, #tpu.memory_space<vmem>>)
    %dma_start3A_212 = arith.constant 0 : i32
    %dma_start3A_213 = arith.constant 0 : i32
    %dma_start3A_214 = arith.constant 0 : i32
    %dma_start3A_215 = tpu.memref_slice %arg11[%arg1, %dma_start3A_212, %dma_start3A_213, %dma_start3A_214] : memref<16x2x200x128xf32, #tpu.memory_space<vmem_shared>> -> memref<1x1x200x128xf32, #tpu.memory_space<vmem_shared>>
    %dma_start3A_216 = tpu.memref_squeeze %dma_start3A_215 : memref<1x1x200x128xf32, #tpu.memory_space<vmem_shared>> -> memref<200x128xf32, #tpu.memory_space<vmem_shared>>
    %dma_start3A_217 = arith.constant 0 : i32
    %dma_start3A_218 = arith.constant 0 : i32
    %dma_start3A_219 = tpu.memref_slice %arg11[%arg1, %dma_start3A_212, %dma_start3A_217, %dma_start3A_218] : memref<16x2x200x128xf32, #tpu.memory_space<vmem_shared>> -> memref<1x1x200x128xf32, #tpu.memory_space<vmem_shared>>
    %dma_start3A_220 = tpu.memref_squeeze %dma_start3A_219 : memref<1x1x200x128xf32, #tpu.memory_space<vmem_shared>> -> memref<200x128xf32, #tpu.memory_space<vmem_shared>>
    tpu.enqueue_dma source(%arg9 : memref<200x128xf32, #tpu.memory_space<vmem>>) target(%dma_start3A_220 : memref<200x128xf32, #tpu.memory_space<vmem_shared>>) target_semaphore(%arg15 : memref<!tpu.dma_semaphore, #tpu.memory_space<semaphore_mem>>)
    %dma_wait3A_221 = arith.constant 0 : i32
    %dma_wait3A_222 = arith.constant 0 : i32
    %dma_wait3A_223 = arith.constant 0 : i32
    %dma_wait3A_224 = tpu.memref_slice %arg11[%arg1, %dma_wait3A_221, %dma_wait3A_222, %dma_wait3A_223] : memref<16x2x200x128xf32, #tpu.memory_space<vmem_shared>> -> memref<1x1x200x128xf32, #tpu.memory_space<vmem_shared>>
    %dma_wait3A_225 = tpu.memref_squeeze %dma_wait3A_224 : memref<1x1x200x128xf32, #tpu.memory_space<vmem_shared>> -> memref<200x128xf32, #tpu.memory_space<vmem_shared>>
    %dma_wait3A_226 = arith.constant 0 : i32
    %dma_wait3A_227 = arith.constant 0 : i32
    %dma_wait3A_228 = tpu.memref_slice %arg11[%arg1, %dma_wait3A_221, %dma_wait3A_226, %dma_wait3A_227] : memref<16x2x200x128xf32, #tpu.memory_space<vmem_shared>> -> memref<1x1x200x128xf32, #tpu.memory_space<vmem_shared>>
    %dma_wait3A_229 = tpu.memref_squeeze %dma_wait3A_228 : memref<1x1x200x128xf32, #tpu.memory_space<vmem_shared>> -> memref<200x128xf32, #tpu.memory_space<vmem_shared>>
    tpu.wait_dma2 semaphore(%arg15 : memref<!tpu.dma_semaphore, #tpu.memory_space<semaphore_mem>>) src(%arg9 : memref<200x128xf32, #tpu.memory_space<vmem>>) dst(%dma_wait3A_229 : memref<200x128xf32, #tpu.memory_space<vmem_shared>>)
    %add3A_230 = arith.constant 24800 : i32
    %add3A_231 = arith.addi %mul3A_2, %add3A_230 : i32
    %dma_start3A_232 = arith.constant 0 : i32
    %dma_start3A_233 = arith.constant 0 : i32
    %dma_start3A_234 = tpu.memref_slice %arg4[%add3A_231, %dma_start3A_233] : memref<800000x128xf32, #tpu.memory_space<hbm>> -> memref<200x128xf32, #tpu.memory_space<hbm>>
    %dma_start3A_235 = arith.constant 0 : i32
    %dma_start3A_236 = arith.constant 0 : i32
    %dma_start3A_237 = tpu.memref_slice %arg11[%arg1, %dma_start3A_232, %dma_start3A_235, %dma_start3A_236] : memref<16x2x200x128xf32, #tpu.memory_space<vmem_shared>> -> memref<1x1x200x128xf32, #tpu.memory_space<vmem_shared>>
    %dma_start3A_238 = tpu.memref_squeeze %dma_start3A_237 : memref<1x1x200x128xf32, #tpu.memory_space<vmem_shared>> -> memref<200x128xf32, #tpu.memory_space<vmem_shared>>
    tpu.enqueue_dma source(%dma_start3A_238 : memref<200x128xf32, #tpu.memory_space<vmem_shared>>) target(%dma_start3A_234 : memref<200x128xf32, #tpu.memory_space<hbm>>) target_semaphore(%arg17 : memref<!tpu.dma_semaphore, #tpu.memory_space<semaphore_mem>>)
    %dma_wait3A_239 = arith.constant 0 : i32
    %dma_wait3A_240 = arith.constant 0 : i32
    %dma_wait3A_241 = arith.constant 0 : i32
    %dma_wait3A_242 = tpu.memref_slice %arg4[%dma_wait3A_240, %dma_wait3A_241] : memref<800000x128xf32, #tpu.memory_space<hbm>> -> memref<200x128xf32, #tpu.memory_space<hbm>>
    %dma_wait3A_243 = arith.constant 0 : i32
    %dma_wait3A_244 = arith.constant 0 : i32
    %dma_wait3A_245 = tpu.memref_slice %arg11[%arg1, %dma_wait3A_239, %dma_wait3A_243, %dma_wait3A_244] : memref<16x2x200x128xf32, #tpu.memory_space<vmem_shared>> -> memref<1x1x200x128xf32, #tpu.memory_space<vmem_shared>>
    %dma_wait3A_246 = tpu.memref_squeeze %dma_wait3A_245 : memref<1x1x200x128xf32, #tpu.memory_space<vmem_shared>> -> memref<200x128xf32, #tpu.memory_space<vmem_shared>>
    tpu.wait_dma2 semaphore(%arg17 : memref<!tpu.dma_semaphore, #tpu.memory_space<semaphore_mem>>) src(%dma_wait3A_246 : memref<200x128xf32, #tpu.memory_space<vmem_shared>>) dst(%dma_wait3A_242 : memref<200x128xf32, #tpu.memory_space<hbm>>)
    %dma_wait3A_247 = arith.constant 1 : i32
    %dma_wait3A_248 = arith.constant 0 : i32
    %dma_wait3A_249 = arith.constant 0 : i32
    %dma_wait3A_250 = tpu.memref_slice %arg4[%dma_wait3A_248, %dma_wait3A_249] : memref<800000x128xf32, #tpu.memory_space<hbm>> -> memref<200x128xf32, #tpu.memory_space<hbm>>
    %dma_wait3A_251 = arith.constant 0 : i32
    %dma_wait3A_252 = arith.constant 0 : i32
    %dma_wait3A_253 = tpu.memref_slice %arg11[%arg1, %dma_wait3A_247, %dma_wait3A_251, %dma_wait3A_252] : memref<16x2x200x128xf32, #tpu.memory_space<vmem_shared>> -> memref<1x1x200x128xf32, #tpu.memory_space<vmem_shared>>
    %dma_wait3A_254 = tpu.memref_squeeze %dma_wait3A_253 : memref<1x1x200x128xf32, #tpu.memory_space<vmem_shared>> -> memref<200x128xf32, #tpu.memory_space<vmem_shared>>
    tpu.wait_dma2 semaphore(%arg18 : memref<!tpu.dma_semaphore, #tpu.memory_space<semaphore_mem>>) src(%dma_wait3A_254 : memref<200x128xf32, #tpu.memory_space<vmem_shared>>) dst(%dma_wait3A_250 : memref<200x128xf32, #tpu.memory_space<hbm>>)
    return
  }
}

</mosaic_0001>

<sc_bundles>
// kernel: kernel.3.cloned.1.call-start
scs
__scs_entry_jumppad:
0x0: {  	(pc) =	sbr.rel $0x88, $3  }
0x1: {  	(tag) =	ssettag $0x0;
	lr =	simm.s32 $0x1  }
0x2: {  	[smem:$0x3F9F] =	sst lr;
	_ =	strace $0xD0000000  }
0x3: {  	_ = 	snop  }
0x4: {  	_ = 	snop  }
0x5: {  	_ = 	snop  }
0x6: {  	_ = 	snop  }
0x7: {  	_ = 	snop  }
__scs_overlays_trampoline_lowered:
0x8: {  	[smem:$0x3FAE] =	sst s0  }
0x9: {  	[smem:$0x3FAF] =	sst s1  }
0xa: {  	[smem:$0x3FB0] =	sst s2  }
0xb: {  	[smem:$0x3FB1] =	sst s3  }
0xc: {  	[smem:$0x3FB2] =	sst s4  }
0xd: {  	[smem:$0x3FB3] =	sst s5  }
0xe: {  	[smem:$0x3FB4] =	sst s6  }
0xf: {  	[smem:$0x3FB5] =	sst s7  }
0x10: {  	[smem:$0x3FB6] =	sst s8  }
0x11: {  	[smem:$0x3FB7] =	sst s9;
	s0 =	simm.s32 @!p0 $0x0  }
0x12: {  	s1 =	sld [smem:$0x3F9D];
	s0 =	simm.s32 @p0 $0x1  }
0x13: {  	[smem:$0x3FB8] =	sst s0;
	s0 =	simm.s32 @!p1 $0x0  }
0x14: {  	s2 =	sld [smem:$0x3F9C];
	s0 =	simm.s32 @p1 $0x1  }
0x15: {  	[smem:$0x3FB9] =	sst s0;
	s0 =	simm.s32 @!p2 $0x0  }
0x16: {  	s3 =	sld [smem:$0x3FDB];
	s0 =	simm.s32 @p2 $0x1  }
0x17: {  	s4 =	simm.s32 $0x1BF5;
	[smem:$0x3FBB] =	sst s0  }
0x18: {  	s0 =	sld [smem:$0x3F9E];
	_ =	swait.ge [sflag:s4], $0x0  }
0x19: {  	s7 =	sld [smem:$0x3F9F]  }
0x1a: {  	s8 =	sadd.s32 $0xFFFFE003, lr  }
0x1b: {  	s9 =	sadd.s32 $0xFFFFFEF7, lr;
	s5 =	simm.s32 $0xFFFFFFFF;
	p2 =	slt.u32 s8, $0xFFFFF086  }
0x1c: {  	p1 =	slt.u32 s9, $0xF7A;
	s5 =	simm.s32 @!p2 $0x0  }
0x1d: {  	s5 =	simm.s32 @p1 $0x1;
	p0 =	seq.s32 s7, s2  }
0x1e: {  	s7 =	smul.u32 @!p0 $0xF7A, s2;
	p2 =	seq.s32 @!p0 s5, $0x0  }
0x1f: {  	s9 =	smul.u32 $0xF7A, s1;
	s8 =	simm.s32 @!p0 $0x1BF5;
	p2 =	por !p2, p0  }
0x20: {  	[sflag:s8] =	ssyncset.s32 @!p0 $0xFFFFF086;
	s6 =	sadd.s32 @!p0 s3, s7;
	s7 =	simm.s32 @!p0 $0x108  }
0x21: {  	s3 =	sadd.s32 s3, s9;
	s6 =	sadd.s32 @!p0 $0x88, s6;
	s7 =	simm.s32 @p2 $0x1082  }
0x22: {  	[simem:s7], [sflag:s8] =	dma.local @!p0 [hbm:s6], $0xF7A  }
0x23: {  	s9 =	sor.u32 $0xD0000000, s2;
	s6 =	simm.s32 $0x108;
	_ =	swait.ge @!p0 [sflag:s8], $0x0  }
0x24: {  	s3 =	sadd.s32 $0x88, s3;
	s6 =	simm.s32 @!p1 $0x1082;
	[sflag:s4] =	ssyncset.s32 $0xFFFFF086  }
0x25: {  	[simem:s6], [sflag:s4] =	dma.local [hbm:s3], $0xF7A  }
0x26: {  	[smem:$0x3F9F] =	sst s1;
	(tag) =	ssettag s2;
	_ =	strace s9  }
0x27: {  	s1 =	sld [smem:$0x3FAF]  }
0x28: {  	s2 =	sld [smem:$0x3FB0]  }
0x29: {  	s4 =	sld [smem:$0x3FB2]  }
0x2a: {  	p0 =	seq.s32 s5, $0x0;
	s5 =	sld [smem:$0x3FB3]  }
0x2b: {  	s6 =	sld [smem:$0x3FB4]  }
0x2c: {  	s7 =	sld [smem:$0x3FB5]  }
0x2d: {  	s3 =	simm.s32 $0x108;
	s8 =	sld [smem:$0x3FB6]  }
0x2e: {  	s3 =	simm.s32 @!p0 $0x1082;
	s9 =	sld [smem:$0x3FB7]  }
0x2f: {  	lr =	sadd.s32 s0, s3;
	s0 =	sld [smem:$0x3FAE]  }
0x30: {  	s3 =	sld [smem:$0x3FB1]  }
0x31: {  	[smem:$0x3FBA] =	sst s10  }
0x32: {  	s10 =	sld [smem:$0x3FB8];
	_ =	sdelay $0x3  }
0x33: {  	p0 =	seq.s32 s10, $0x1;
	s10 =	sld [smem:$0x3FBA];
	_ =	sdelay $0x3  }
0x34: {  	[smem:$0x3FBA] =	sst s10  }
0x35: {  	s10 =	sld [smem:$0x3FB9];
	_ =	sdelay $0x3  }
0x36: {  	p1 =	seq.s32 s10, $0x1;
	s10 =	sld [smem:$0x3FBA];
	_ =	sdelay $0x3  }
0x37: {  	[smem:$0x3FBA] =	sst s10  }
0x38: {  	s10 =	sld [smem:$0x3FBB]  }
0x39: {  	_ = 	snop;
	(pc) =	sbr.ind lr, $3  }
0x3a: {  	_ = 	snop  }
0x3b: {  	_ = 	snop  }
0x3c: {  	p2 =	seq.s32 s10, $0x1;
	s10 =	sld [smem:$0x3FBA]  }
0x3d: {  	_ =	shalt  }
0x3e: {  	_ =	shalt  }
0x3f: {  	_ =	shalt  }
0x40: {  	_ =	shalt  }
0x41: {  	_ =	shalt  }
0x42: {  	_ =	shalt  }
0x43: {  	_ =	shalt  }
0x44: {  	_ =	shalt  }
0x45: {  	_ =	shalt  }
0x46: {  	_ =	shalt  }
0x47: {  	_ =	shalt  }
0x48: {  	_ =	shalt  }
0x49: {  	_ =	shalt  }
0x4a: {  	_ =	shalt  }
0x4b: {  	_ =	shalt  }
0x4c: {  	_ =	shalt  }
0x4d: {  	_ =	shalt  }
0x4e: {  	_ =	shalt  }
0x4f: {  	_ =	shalt  }
0x50: {  	_ =	shalt  }
0x51: {  	_ =	shalt  }
0x52: {  	_ =	shalt  }
0x53: {  	_ =	shalt  }
0x54: {  	_ =	shalt  }
0x55: {  	_ =	shalt  }
0x56: {  	_ =	shalt  }
0x57: {  	_ =	shalt  }
0x58: {  	_ =	shalt  }
0x59: {  	_ =	shalt  }
0x5a: {  	_ =	shalt  }
0x5b: {  	_ =	shalt  }
0x5c: {  	_ =	shalt  }
0x5d: {  	_ =	shalt  }
0x5e: {  	_ =	shalt  }
0x5f: {  	_ =	shalt  }
0x60: {  	_ =	shalt  }
0x61: {  	_ =	shalt  }
0x62: {  	_ =	shalt  }
0x63: {  	_ =	shalt  }
0x64: {  	_ =	shalt  }
0x65: {  	_ =	shalt  }
0x66: {  	_ =	shalt  }
0x67: {  	_ =	shalt  }
0x68: {  	_ =	shalt  }
0x69: {  	_ =	shalt  }
0x6a: {  	_ =	shalt  }
0x6b: {  	_ =	shalt  }
0x6c: {  	_ =	shalt  }
0x6d: {  	_ =	shalt  }
0x6e: {  	_ =	shalt  }
0x6f: {  	_ =	shalt  }
0x70: {  	_ =	shalt  }
0x71: {  	_ =	shalt  }
0x72: {  	_ =	shalt  }
0x73: {  	_ =	shalt  }
0x74: {  	_ =	shalt  }
0x75: {  	_ =	shalt  }
0x76: {  	_ =	shalt  }
0x77: {  	_ =	shalt  }
0x78: {  	_ =	shalt  }
0x79: {  	_ =	shalt  }
0x7a: {  	_ =	shalt  }
0x7b: {  	_ =	shalt  }
0x7c: {  	_ =	shalt  }
0x7d: {  	_ =	shalt  }
0x7e: {  	_ =	shalt  }
0x7f: {  	_ =	shalt  }
0x80: {  	_ =	shalt  }
0x81: {  	_ =	shalt  }
0x82: {  	_ =	shalt  }
0x83: {  	_ =	shalt  }
0x84: {  	_ =	shalt  }
0x85: {  	_ =	shalt  }
0x86: {  	_ =	shalt  }
0x87: {  	_ =	shalt  }
.Lfunc_end0:
.L_simem_size_0:
called_computation_lowered:
.L_overlay_start_0:
0x88: {  	s2 =	sld [smem:$0x3FD9]  }
0x89: {  	s3 =	sld [smem:$0x3FFE];
	_ =	sdelay $0x1  }
0x8a: {  	s1 =	srdreg.scid  }
0x8b: {  	s0 =	sand.u32 $0x1, s1  }
0x8c: {  	s18 =	sshll.u32 s0, $0xA;
	s2 =	sadd.s32 s3, s2  }
0x8d: {  	s2 =	sadd.s32 s2, s18  }
0x8e: {  	[smem:$0x3FC6] =	sst s2  }
0x8f: {  	_ = 	snop  }
0x90: {  	s2 =	sld [smem:$0x3FC9]  }
0x91: {  	s19 =	sld [smem:$0x3FC8]  }
0x92: {  	s4 =	sld [smem:$0x3FD0];
	(tm) =	ssettm $0x1  }
0x93: {  	s5 =	sld [smem:$0x3FFB];
	_ =	sdelay $0x3  }
0x94: {  	_ =	strace s5  }
0x95: {  	s5 =	sld [smem:$0x3FFC];
	_ =	sdelay $0x3  }
0x96: {  	_ =	strace s5  }
0x97: {  	s5 =	sld [smem:$0x3FFD];
	_ =	sdelay $0x3  }
0x98: {  	_ =	strace s5  }
0x99: {  	_ =	strace $0x8FFFFFFF  }
0x9a: {  	s20 =	sld [smem:$0x3FDB];
	_ =	sdelay $0x1  }
0x9b: {  	s6 =	simm.s32 $_scs_section_size  }
0x9c: {  	s7 =	simm.s32 $_size__tile_overlayer_lowered;
	s8 =	simm.s32 $_tile_overlayer_lowered  }
0x9d: {  	s23 =	simm.s32 $0x1BFF;
	s22 =	sshll.u32 s8, $0x1;
	s5 =	sadd.s32 s6, s20  }
0x9e: {  	s9 =	simm.s32 $0x0;
	s21 =	sshll.u32 s7, $0x1;
	s7 =	sadd.s32 s22, s5  }
0x9f: {  	[timem:s9], [sflag:s23] =	dma.local [hbm:s7], s21  }
0xa0: {  	_ =	swait.ge [sflag:s23], s21  }
0xa1: {  	s6 =	ssub.s32 $0x0, s21;
	[sflag:s23] =	ssyncset.done $0x0  }
0xa2: {  	[sflag:s23] =	ssyncadd.s32 s6;
	_ =	sdelay $0x1  }
0xa3: {  	s24 =	simm.s32 $0x1B8B  }
0xa4: {  	_ =	swait.ge [sflag:s24], $0x1  }
0xa5: {  	[sflag:s24] =	ssyncset.done $0x0  }
0xa6: {  	s25 =	simm.s32 $0x1B8E;
	[sflag:s24] =	ssyncadd.s32 $0xFFFFFFFF  }
0xa7: {  	s26 =	simm.s32 $execute0_lowered;
	[smem:$0x3FD2] =	sst s25  }
0xa8: {  	s6 =	sshll.u32 s26, $0x1;
	_ =	strace $0x80000046;
	[dreg:$0x1] =	wrdreg $0xFFFFFFFF  }
0xa9: {  	s28 =	simm.s32 $_size_execute0_lowered;
	s5 =	sadd.s32 s5, s6;
	[dreg:$0x0] =	wrdreg $0x0  }
0xaa: {  	s6 =	sshll.u32 s28, $0x1;
	[dreg:$0x2] =	wrdreg s5  }
0xab: {  	[dreg:$0x3] =	wrdreg s6  }
0xac: {  	[dreg:$0x4] =	wrdreg $0xC0  }
0xad: {  	_ =	task [dreg:s9], $0x5FFFF  }
0xae: {  	[dreg:$0x1] =	wrdreg $0xFFFFFFFF  }
0xaf: {  	[dreg:$0x0] =	wrdreg $0x60  }
0xb0: {  	[dreg:$0x2] =	wrdreg s2  }
0xb1: {  	[dreg:$0x3] =	wrdreg s19  }
0xb2: {  	[dreg:$0x4] =	wrdreg s4  }
0xb3: {  	[dreg:$0x5] =	wrdreg $0x12F000  }
0xb4: {  	[dreg:$0x6] =	wrdreg $0x9  }
0xb5: {  	_ =	task.clear_ibuf [dreg:s9], $0x7FFFF;
	_ =	strace $0x90000046  }
0xb6: {  	s29 =	simm.s32 $0x9;
	_ =	strace $0x80000048  }
0xb7: {  	_ =	swait.ge [sflag:s29], $0x1  }
0xb8: {  	[sflag:s29] =	ssyncadd.s32 $0xFFFFFFFF  }
0xb9: {  	_ =	strace $0x90000048  }
0xba: {  	_ =	sfence  }
0xbb: {  	s30 =	sld [smem:$0x0];
	_ =	sdelay $0x2  }
0xbc: {  	s31 =	sshll.u32 s1, $0xD;
	s1 =	sshrl.u32 s1, $0x2  }
0xbd: {  	s3 =	sand.u32 $0x4000, s31;
	s1 =	sadd.s32 s1, s30  }
0xbe: {  	s0 =	sor.u32 s3, s0;
	s1 =	sshll.u32 s1, $0x11  }
0xbf: {  	s0 =	sor.u32 s1, s0  }
0xc0: {  	s0 =	sadd.s32 $0x8F2B, s0  }
0xc1: {  	[sflag:s0] =	ssyncadd.remote.s32 $0x1  }
0xc2: {  	_ =	sfence.sel $0xFFFF  }
0xc3: {  	[dreg:$0x0] =	wrdreg $0xFFFFFFFF;
	(pc) =	sbr.abs _section_cstart, $3  }
0xc4: {  	[dreg:$0x1] =	wrdreg $0xFFFFFFFF  }
0xc5: {  	_ =	task.clear_ibuf [dreg:s9], $0x2FFFF;
	_ =	strace $0x9FFFFFFF  }
0xc6: {  	(tm) =	ssettm $0x7FFFFFFF  }
0xc7: {  	_ =	shalt  }
tec
execute0_lowered:
.L_overlay_start_1:
0x0: {  	(tag) =	ssettag $0x1  }
0x1: {  	s12 =	rddreg [dreg:$0x1]  }
0x2: {  	s0 =	rddreg [dreg:$0x2]  }
0x3: {  	s2 =	srdreg.scid;
	s4 =	stileid.u32  }
0x4: {  	s3 =	rddreg [dreg:$0x3];
	s9 =	smul.u32 $0x32000, s4  }
0x5: {  	s1 =	simm.s32 $0x0;
	s2 =	sand.u32 $0x1, s2;
	s15 =	smul.u32 $0xC350, s4  }
0x6: {  	s5 =	sshll.u32 s4, $0x1;
	[smem:$0x7FF] =	sst s1;
	s19 =	smul.u32 $0xC3500, s4  }
0x7: {  	s5 =	sor.u32 s2, s5;
	s6 =	ssub.s32 $0x2, s2;
	s17 =	smul.u32 $0x61A8, s2  }
0x8: {  	_ =	strace $0x80000047;
	s7 =	smul.u32 $0x61A8, s5;
	s8 =	sshrl.u32 s6, $0x1  }
0x9: {  	s29 =	sshrl.u32 s9, $0x2;
	s5 =	smul.u32 $0x30D400, s5;
	s10 =	ssub.s32 s6, s8  }
0xa: {  	s30 =	sadd.s32 s29, s3;
	s26 =	sshrl.u32 s7, $0x3;
	s28 =	sadd.s32 $0xC8, s7  }
0xb: {  	s31 =	sadd.s32 $0x5F50, s7;
	[dreg:$0x6] =	wrdreg s30;
	s1 =	sadd.s32 $0x6400, s30  }
0xc: {  	s5 =	sshrl.u32 s5, $0x3;
	s20 =	smax.u32 s10, $0x1;
	[dreg:$0x9] =	wrdreg s1  }
0xd: {  	s6 =	sadd.s32 s12, s26;
	s8 =	sshrl.u32 s28, $0x3;
	[dreg:$0x18] =	wrdreg s20  }
0xe: {  	s1 =	sshrl.u32 s31, $0x3;
	[dreg:$0xd] =	wrdreg s6;
	s8 =	sadd.s32 s12, s8  }
0xf: {  	s5 =	sadd.s32 s0, s5;
	s9 =	sadd.s32 s12, s1;
	[dreg:$0xe] =	wrdreg s8  }
0x10: {  	s2 =	smul.u32 $0x61A80, s2;
	s13 =	sadd.s32 $0x5CF80, s5;
	[dreg:$0xf] =	wrdreg s9  }
0x11: {  	s3 =	sshll.u32 s31, $0x4;
	s14 =	sadd.s32 $0x5DC00, s5;
	[dreg:$0x10] =	wrdreg s13  }
0x12: {  	s6 =	sadd.s32 $0x6018, s7;
	s5 =	sadd.s32 $0x5E880, s5;
	[dreg:$0x12] =	wrdreg s14  }
0x13: {  	s7 =	sadd.s32 $0x60E0, s7;
	s3 =	sadd.s32 s0, s3;
	[dreg:$0x14] =	wrdreg s5  }
0x14: {  	s11 =	sshrl.u32 s6, $0x3;
	s8 =	sshrl.u32 s7, $0x3;
	[dreg:$0x15] =	wrdreg s3  }
0x15: {  	s16 =	sshll.u32 s6, $0x4;
	s7 =	sshll.u32 s7, $0x4;
	s3 =	sadd.s32 s17, s15  }
0x16: {  	s11 =	sadd.s32 s12, s11;
	s5 =	sadd.s32 s0, s16;
	s18 =	sadd.s32 s0, s7  }
0x17: {  	s0 =	sadd.s32 s19, s0;
	s21 =	sadd.s32 $0x320, s3;
	[dreg:$0x11] =	wrdreg s11  }
0x18: {  	s22 =	sadd.s32 $0x3E8, s3;
	s26 =	sadd.s32 $0x4B0, s3;
	[dreg:$0x16] =	wrdreg s5  }
0x19: {  	s28 =	sadd.s32 $0x578, s3;
	s29 =	sadd.s32 $0x258, s3;
	[dreg:$0x17] =	wrdreg s18  }
0x1a: {  	s3 =	sadd.s32 $0x190, s3;
	s11 =	sadd.s32 s12, s8;
	[dreg:$0x1b] =	wrdreg s26  }
0x1b: {  	s0 =	sadd.s32 s2, s0;
	s23 =	sshrl.u32 s21, $0x3;
	[dreg:$0x13] =	wrdreg s11  }
0x1c: {  	s24 =	sshrl.u32 s22, $0x3;
	[dreg:$0x5] =	wrdreg s0;
	s0 =	sadd.s32 s23, s12  }
0x1d: {  	s2 =	sshrl.u32 s29, $0x3;
	s25 =	sadd.s32 s24, s12;
	[dreg:$0x19] =	wrdreg s0  }
0x1e: {  	s3 =	sshrl.u32 s3, $0x3;
	s30 =	sadd.s32 s2, s12;
	[dreg:$0x1a] =	wrdreg s25  }
0x1f: {  	s31 =	sadd.s32 s3, s12;
	s0 =	sshrl.u32 s28, $0x3;
	[dreg:$0x1d] =	wrdreg s30  }
0x20: {  	[dreg:$0x1e] =	wrdreg s31;
	s0 =	sadd.s32 s0, s12  }
0x21: {  	s1 =	simm.s32 $0x0;
	s26 =	simm.s32 $0x8;
	[dreg:$0x1c] =	wrdreg s0  }
.LBB2_1:
0x22: {  	[dreg:$0x1f] =	wrdreg s1  }
0x23: {  	s0 =	rddreg [dreg:$0xd];
	s8 =	simm.s32 $0x0  }
0x24: {  	[tilespmem:s8], [sflag:$0x8] =	stream.linear.gather [hbm4b:s0+s8], $0xC8, $0x38;
	[tilespmem:$0x1F700] =	vst v63  }
0x25: {  	_ =	swait.ge [sflag:s26], $0xC8  }
0x26: {  	[sflag:s26] =	ssyncset.done $0x0  }
0x27: {  	[sflag:s26] =	ssyncadd.s32 $0xFFFFFF38  }
0x28: {  	s1 =	simm.s32 $0x300;
	s7 =	simm.s32 $0xC8;
	s6 =	rddreg [dreg:$0x0]  }
0x29: {  	[tilespmem:s1], [sflag:$0x1] =	stream.indirect.gather [hbm4b:s6+s7], $0x80, s8, s7, $0xb8;
	[tilespmem:$0x1F700] =	vst v63  }
0x2a: {  	s28 =	simm.s32 $0x100;
	s15 =	rddreg [dreg:$0xe]  }
0x2b: {  	[tilespmem:s28], [sflag:$0x8] =	stream.linear.gather [hbm4b:s15+s8], $0xC8, $0x38;
	[tilespmem:$0x1F700] =	vst v63  }
0x2c: {  	p1 =	por $0x1, $0x1;
	_ =	swait.ge [sflag:s26], $0xC8  }
0x2d: {  	p0 =	por p1, p1;
	[sflag:s26] =	ssyncset.done $0x0  }
0x2e: {  	s29 =	simm.s32 $0x6700;
	s0 =	simm.s32 @!p0 $0x5;
	[sflag:s26] =	ssyncadd.s32 $0xFFFFFF38  }
0x2f: {  	[tilespmem:s29], [sflag:$0x2] =	stream.indirect.gather [hbm4b:s6+s7], $0x80, s28, s7, $0xb8;
	[tilespmem:$0x1F700] =	vst v63  }
0x30: {  	s3 =	simm.s32 $0x200;
	s18 =	stileid.u32;
	_ =	swait.ge @!p0 [sflag:s0], $0x6400  }
0x31: {  	s10 =	simm.s32 $0xCB00;
	s2 =	sshll.u32 @!p1 s18, $0x6;
	[sflag:s0] =	ssyncset.done @!p0 $0x0  }
0x32: {  	s2 =	sor.u32 @!p1 $0x1C07, s2;
	s21 =	rddreg [dreg:$0x1e];
	[sflag:s0] =	ssyncadd.s32 @!p0 $0xFFFF9C00  }
0x33: {  	[tilespmem:s3], [sflag:$0x8] =	stream.linear.gather [hbm4b:s21+s8], $0xC8, $0x38;
	[tilespmem:$0x1F700] =	vst v63  }
0x34: {  	s16 =	simm.s32 @!p0 $0x6;
	s5 =	rddreg [dreg:$0x5];
	_ =	swait.ge [sflag:s26], $0xC8  }
0x35: {  	s0 =	sadd.s32 @!p1 $0x0, s5;
	[sflag:s26] =	ssyncset.done $0x0;
	s9 =	rddreg [dreg:$0x9]  }
0x36: {  	s0 =	sadd.s32 @!p1 $0xFFFFF380, s0;
	[sflag:s26] =	ssyncadd.s32 $0xFFFFFF38;
	s15 =	sshrl.u32 @!p0 s9, $0x3  }
0x37: {  	[tilespmem:s10], [sflag:$0x3] =	stream.indirect.gather [hbm4b:s6+s7], $0x80, s3, s7, $0xb8;
	[tilespmem:$0x1F700] =	vst v63  }
0x38: {  	[hbm:s0], [sflag:s2] =	dma.local @!p0 [spmem:s15], $0xC80  }
0x39: {  	_ =	swait.ge @!p0 [sflag:s16], $0xC80  }
0x3a: {  	[sflag:s16] =	ssyncset.done @!p0 $0x0  }
0x3b: {  	s11 =	simm.s32 $0x1;
	[sflag:s16] =	ssyncadd.s32 @!p0 $0xFFFFF380  }
0x3c: {  	_ =	swait.ge [sflag:s11], $0x6400  }
0x3d: {  	[sflag:s11] =	ssyncset.done $0x0  }
0x3e: {  	s24 =	simm.s32 $0x4;
	s19 =	rddreg [dreg:$0x6];
	[sflag:s11] =	ssyncadd.s32 $0xFFFF9C00  }
0x3f: {  	[spmem:s19] =	stream.linear.scatter [tilespmem:s1], [sflag:$0x4], $0x6400, $0x38;
	[tilespmem:$0x1F700] =	vst v63  }
0x40: {  	_ =	swait.ge [sflag:s24], $0x6400  }
0x41: {  	[sflag:s24] =	ssyncset.done $0x0  }
0x42: {  	s23 =	rddreg [dreg:$0x1d];
	[sflag:s24] =	ssyncadd.s32 $0xFFFF9C00  }
0x43: {  	[tilespmem:s8], [sflag:$0x8] =	stream.linear.gather [hbm4b:s23+s8], $0xC8, $0x38;
	[tilespmem:$0x1F700] =	vst v63  }
0x44: {  	s0 =	sadd.s32 $0x0, s5;
	_ =	swait.ge [sflag:s26], $0xC8  }
0x45: {  	s15 =	simm.s32 @!p0 $0x7;
	s16 =	sshll.u32 s18, $0x6;
	[sflag:s26] =	ssyncset.done $0x0  }
0x46: {  	s4 =	sor.u32 $0x1C06, s16;
	s17 =	sshrl.u32 s19, $0x3;
	[sflag:s26] =	ssyncadd.s32 $0xFFFFFF38  }
0x47: {  	[tilespmem:s1], [sflag:$0x1] =	stream.indirect.gather [hbm4b:s6+s7], $0x80, s8, s7, $0xb8;
	[tilespmem:$0x1F700] =	vst v63  }
0x48: {  	[hbm:s0], [sflag:s4] =	dma.local [spmem:s17], $0xC80  }
0x49: {  	_ =	swait.ge @!p0 [sflag:s15], $0xC80  }
0x4a: {  	[sflag:s15] =	ssyncset.done @!p0 $0x0  }
0x4b: {  	s12 =	simm.s32 $0x2;
	[sflag:s15] =	ssyncadd.s32 @!p0 $0xFFFFF380  }
0x4c: {  	_ =	swait.ge [sflag:s12], $0x6400  }
0x4d: {  	[sflag:s12] =	ssyncset.done $0x0  }
0x4e: {  	s13 =	simm.s32 $0x5;
	[sflag:s12] =	ssyncadd.s32 $0xFFFF9C00  }
0x4f: {  	[spmem:s9] =	stream.linear.scatter [tilespmem:s29], [sflag:$0x5], $0x6400, $0x38;
	[tilespmem:$0x1F700] =	vst v63  }
0x50: {  	_ =	swait.ge [sflag:s13], $0x6400  }
0x51: {  	[sflag:s13] =	ssyncset.done $0x0  }
0x52: {  	s20 =	rddreg [dreg:$0x19];
	[sflag:s13] =	ssyncadd.s32 $0xFFFF9C00  }
0x53: {  	[tilespmem:s28], [sflag:$0x8] =	stream.linear.gather [hbm4b:s20+s8], $0xC8, $0x38;
	[tilespmem:$0x1F700] =	vst v63  }
0x54: {  	_ =	swait.ge [sflag:s26], $0xC8  }
0x55: {  	s14 =	simm.s32 $0x6;
	s30 =	sshrl.u32 s9, $0x3;
	[sflag:s26] =	ssyncset.done $0x0  }
0x56: {  	s22 =	sadd.s32 $0xC80, s0;
	s16 =	sor.u32 $0x1C07, s16;
	[sflag:s26] =	ssyncadd.s32 $0xFFFFFF38  }
0x57: {  	[tilespmem:s29], [sflag:$0x2] =	stream.indirect.gather [hbm4b:s6+s7], $0x80, s28, s7, $0xb8;
	[tilespmem:$0x1F700] =	vst v63  }
0x58: {  	[hbm:s22], [sflag:s16] =	dma.local [spmem:s30], $0xC80  }
0x59: {  	_ =	swait.ge [sflag:s14], $0xC80  }
0x5a: {  	[sflag:s14] =	ssyncset.done $0x0  }
0x5b: {  	s31 =	simm.s32 $0x3;
	[sflag:s14] =	ssyncadd.s32 $0xFFFFF380  }
0x5c: {  	_ =	swait.ge [sflag:s31], $0x6400  }
0x5d: {  	[sflag:s31] =	ssyncset.done $0x0  }
0x5e: {  	[sflag:s31] =	ssyncadd.s32 $0xFFFF9C00  }
0x5f: {  	[spmem:s19] =	stream.linear.scatter [tilespmem:s10], [sflag:$0x4], $0x6400, $0x38;
	[tilespmem:$0x1F700] =	vst v63  }
0x60: {  	_ =	swait.ge [sflag:s24], $0x6400  }
0x61: {  	[sflag:s24] =	ssyncset.done $0x0  }
0x62: {  	s22 =	rddreg [dreg:$0x1a];
	[sflag:s24] =	ssyncadd.s32 $0xFFFF9C00  }
0x63: {  	[tilespmem:s3], [sflag:$0x8] =	stream.linear.gather [hbm4b:s22+s8], $0xC8, $0x38;
	[tilespmem:$0x1F700] =	vst v63  }
0x64: {  	_ =	swait.ge [sflag:s26], $0xC8  }
0x65: {  	[sflag:s26] =	ssyncset.done $0x0  }
0x66: {  	[sflag:s26] =	ssyncadd.s32 $0xFFFFFF38  }
0x67: {  	[tilespmem:s10], [sflag:$0x3] =	stream.indirect.gather [hbm4b:s6+s7], $0x80, s3, s7, $0xb8;
	[tilespmem:$0x1F700] =	vst v63  }
0x68: {  	s25 =	sadd.s32 $0x1900, s0;
	s10 =	simm.s32 $0x7  }
0x69: {  	[hbm:s25], [sflag:s4] =	dma.local [spmem:s17], $0xC80  }
0x6a: {  	_ =	swait.ge [sflag:s10], $0xC80  }
0x6b: {  	[sflag:s10] =	ssyncset.done $0x0  }
0x6c: {  	[sflag:s10] =	ssyncadd.s32 $0xFFFFF380  }
0x6d: {  	_ =	swait.ge [sflag:s11], $0x6400  }
0x6e: {  	[sflag:s11] =	ssyncset.done $0x0  }
0x6f: {  	[sflag:s11] =	ssyncadd.s32 $0xFFFF9C00  }
0x70: {  	[spmem:s9] =	stream.linear.scatter [tilespmem:s1], [sflag:$0x5], $0x6400, $0x38;
	[tilespmem:$0x1F700] =	vst v63  }
0x71: {  	_ =	swait.ge [sflag:s13], $0x6400  }
0x72: {  	s25 =	rddreg [dreg:$0x1b];
	[sflag:s13] =	ssyncset.done $0x0  }
0x73: {  	s9 =	sshrl.u32 s25, $0x3;
	s11 =	rddreg [dreg:$0x1]  }
0x74: {  	[sflag:s13] =	ssyncadd.s32 $0xFFFF9C00;
	s2 =	sadd.s32 s11, s9  }
0x75: {  	[tilespmem:s8], [sflag:$0x8] =	stream.linear.gather [hbm4b:s2+s8], $0xC8, $0x38;
	[tilespmem:$0x1F700] =	vst v63  }
0x76: {  	_ =	swait.ge [sflag:s26], $0xC8  }
0x77: {  	[dreg:$0xa] =	wrdreg s30;
	[sflag:s26] =	ssyncset.done $0x0  }
0x78: {  	s15 =	sadd.s32 $0x2580, s0;
	[dreg:$0xb] =	wrdreg s16;
	[sflag:s26] =	ssyncadd.s32 $0xFFFFFF38  }
0x79: {  	[tilespmem:s1], [sflag:$0x1] =	stream.indirect.gather [hbm4b:s6+s7], $0x80, s8, s7, $0xb8;
	[tilespmem:$0x1F700] =	vst v63  }
0x7a: {  	[hbm:s15], [sflag:s16] =	dma.local [spmem:s30], $0xC80  }
0x7b: {  	_ =	swait.ge [sflag:s14], $0xC80  }
0x7c: {  	[sflag:s14] =	ssyncset.done $0x0  }
0x7d: {  	[sflag:s14] =	ssyncadd.s32 $0xFFFFF380  }
0x7e: {  	_ =	swait.ge [sflag:s12], $0x6400  }
0x7f: {  	[sflag:s12] =	ssyncset.done $0x0  }
0x80: {  	[sflag:s12] =	ssyncadd.s32 $0xFFFF9C00  }
0x81: {  	[spmem:s19] =	stream.linear.scatter [tilespmem:s29], [sflag:$0x4], $0x6400, $0x38;
	[tilespmem:$0x1F700] =	vst v63  }
0x82: {  	_ =	swait.ge [sflag:s24], $0x6400  }
0x83: {  	p0 =	por $0x0, $0x0;
	[sflag:s24] =	ssyncset.done $0x0  }
0x84: {  	s0 =	sadd.s32 $0x3200, s0;
	[sflag:s24] =	ssyncadd.s32 $0xFFFF9C00;
	s24 =	rddreg [dreg:$0x1c]  }
0x85: {  	[tilespmem:s28], [sflag:$0x8] =	stream.linear.gather [hbm4b:s24+s8], $0xC8, $0x38;
	[tilespmem:$0x1F700] =	vst v63  }
0x86: {  	s2 =	simm.s32 $0x9600;
	s15 =	sadd.s32 @!p0 $0x4B00, s5;
	_ =	swait.ge [sflag:s26], $0xC8  }
0x87: {  	s16 =	sadd.s32 @!p0 $0xFFFFF380, s15;
	[dreg:$0x7] =	wrdreg s17;
	[sflag:s26] =	ssyncset.done $0x0  }
0x88: {  	s15 =	sadd.s32 $0x96, s23;
	[dreg:$0x8] =	wrdreg s4;
	[sflag:s26] =	ssyncadd.s32 $0xFFFFFF38  }
0x89: {  	[tilespmem:s29], [sflag:$0x2] =	stream.indirect.gather [hbm4b:s6+s7], $0x80, s28, s7, $0xb8;
	[tilespmem:$0x1F700] =	vst v63  }
0x8a: {  	[hbm:s0], [sflag:s4] =	dma.local [spmem:s17], $0xC80  }
0x8b: {  	s23 =	sadd.s32 $0x96, s22;
	s22 =	sadd.s32 $0x4B0, s25;
	_ =	swait.ge [sflag:s10], $0xC80  }
0x8c: {  	s25 =	sadd.s32 $0x96, s20;
	s19 =	sshll.u32 @!p0 s18, $0x6;
	[sflag:s10] =	ssyncset.done $0x0  }
0x8d: {  	s19 =	sor.u32 @!p0 $0x1C07, s19;
	p0 =	por p0, p0;
	[sflag:s10] =	ssyncadd.s32 $0xFFFFF380  }
0x8e: {  	s12 =	simm.s32 $0x4B00;
	s30 =	simm.s32 @!p0 $0x5;
	_ =	swait.ge [sflag:s31], $0x6400  }
0x8f: {  	s29 =	sadd.s32 $0x96, s21;
	s21 =	sadd.s32 $0x96, s24;
	[sflag:s31] =	ssyncset.done $0x0  }
.LBB2_2:
0x90: {  	s0 =	simm.s32 $0x3  }
0x91: {  	s11 =	simm.s32 $0xCB00;
	s9 =	rddreg [dreg:$0x9];
	[sflag:s0] =	ssyncadd.s32 $0xFFFF9C00  }
0x92: {  	[spmem:s9] =	stream.linear.scatter [tilespmem:s11], [sflag:$0x5], $0x6400, $0x38;
	[tilespmem:$0x1F700] =	vst v63  }
0x93: {  	s20 =	rddreg [dreg:$0x5];
	_ =	swait.ge @!p0 [sflag:s30], $0x6400  }
0x94: {  	[sflag:s30] =	ssyncset.done @!p0 $0x0  }
0x95: {  	s10 =	simm.s32 $0x200;
	s8 =	simm.s32 $0x0;
	[sflag:s30] =	ssyncadd.s32 @!p0 $0xFFFF9C00  }
0x96: {  	[tilespmem:s10], [sflag:$0x8] =	stream.linear.gather [hbm4b:s29+s8], $0xC8, $0x38;
	[tilespmem:$0x1F700] =	vst v63  }
0x97: {  	_ =	swait.ge [sflag:s26], $0xC8  }
0x98: {  	p2 =	seq.s32 s2, $0x0;
	[sflag:s26] =	ssyncset.done $0x0  }
0x99: {  	s1 =	stileid.u32;
	s18 =	simm.s32 @!p0 $0x6;
	[sflag:s26] =	ssyncadd.s32 $0xFFFFFF38  }
0x9a: {  	s7 =	simm.s32 $0xC8;
	s30 =	sshrl.u32 @!p0 s9, $0x3;
	s6 =	rddreg [dreg:$0x0]  }
0x9b: {  	[tilespmem:s11], [sflag:$0x3] =	stream.indirect.gather [hbm4b:s6+s7], $0x80, s10, s7, $0xb8;
	[tilespmem:$0x1F700] =	vst v63  }
0x9c: {  	[hbm:s16], [sflag:s19] =	dma.local @!p0 [spmem:s30], $0xC80  }
0x9d: {  	s5 =	sshll.u32 @!p2 s1, $0x6;
	_ =	swait.ge @!p0 [sflag:s18], $0xC80  }
0x9e: {  	s5 =	sor.u32 @!p2 $0x1C07, s5;
	[sflag:s18] =	ssyncset.done @!p0 $0x0  }
0x9f: {  	s19 =	smov.u32 s5;
	s5 =	simm.s32 $0x1;
	[sflag:s18] =	ssyncadd.s32 @!p0 $0xFFFFF380  }
0xa0: {  	_ =	swait.ge [sflag:s5], $0x6400  }
0xa1: {  	s1 =	simm.s32 $0x300;
	[sflag:s5] =	ssyncset.done $0x0  }
0xa2: {  	s18 =	simm.s32 $0x4;
	s28 =	rddreg [dreg:$0x6];
	[sflag:s5] =	ssyncadd.s32 $0xFFFF9C00  }
0xa3: {  	[spmem:s28] =	stream.linear.scatter [tilespmem:s1], [sflag:$0x4], $0x6400, $0x38;
	[tilespmem:$0x1F700] =	vst v63  }
0xa4: {  	s31 =	smov.u32 s2;
	_ =	swait.ge [sflag:s18], $0x6400  }
0xa5: {  	s3 =	sadd.s32 @!p2 s31, s20;
	[sflag:s18] =	ssyncset.done $0x0  }
0xa6: {  	s13 =	smov.u32 s31;
	s3 =	sadd.s32 @!p2 $0xFFFFF380, s3;
	[sflag:s18] =	ssyncadd.s32 $0xFFFF9C00  }
0xa7: {  	[tilespmem:s8], [sflag:$0x8] =	stream.linear.gather [hbm4b:s15+s8], $0xC8, $0x38;
	[tilespmem:$0x1F700] =	vst v63  }
0xa8: {  	s16 =	smov.u32 s3;
	_ =	swait.ge [sflag:s26], $0xC8;
	[dreg:$0xc] =	wrdreg s13  }
0xa9: {  	s30 =	sadd.s32 s12, s20;
	[sflag:s26] =	ssyncset.done $0x0;
	s17 =	rddreg [dreg:$0x7]  }
0xaa: {  	s3 =	simm.s32 @!p0 $0x7;
	s4 =	rddreg [dreg:$0x8];
	[sflag:s26] =	ssyncadd.s32 $0xFFFFFF38  }
0xab: {  	[tilespmem:s1], [sflag:$0x1] =	stream.indirect.gather [hbm4b:s6+s7], $0x80, s8, s7, $0xb8;
	[tilespmem:$0x1F700] =	vst v63  }
0xac: {  	[hbm:s30], [sflag:s4] =	dma.local [spmem:s17], $0xC80  }
0xad: {  	_ =	swait.ge @!p0 [sflag:s3], $0xC80  }
0xae: {  	[sflag:s3] =	ssyncset.done @!p0 $0x0  }
0xaf: {  	s12 =	simm.s32 $0x2;
	[sflag:s3] =	ssyncadd.s32 @!p0 $0xFFFFF380  }
0xb0: {  	_ =	swait.ge [sflag:s12], $0x6400  }
0xb1: {  	[sflag:s12] =	ssyncset.done $0x0  }
0xb2: {  	s31 =	simm.s32 $0x6700;
	s13 =	simm.s32 $0x5;
	[sflag:s12] =	ssyncadd.s32 $0xFFFF9C00  }
0xb3: {  	[spmem:s9] =	stream.linear.scatter [tilespmem:s31], [sflag:$0x5], $0x6400, $0x38;
	[tilespmem:$0x1F700] =	vst v63  }
0xb4: {  	_ =	swait.ge [sflag:s13], $0x6400  }
0xb5: {  	[sflag:s13] =	ssyncset.done $0x0  }
0xb6: {  	s20 =	simm.s32 $0x100;
	[sflag:s13] =	ssyncadd.s32 $0xFFFF9C00  }
0xb7: {  	[tilespmem:s20], [sflag:$0x8] =	stream.linear.gather [hbm4b:s25+s8], $0xC8, $0x38;
	[tilespmem:$0x1F700] =	vst v63  }
0xb8: {  	_ =	swait.ge [sflag:s26], $0xC8  }
0xb9: {  	[sflag:s26] =	ssyncset.done $0x0;
	s24 =	rddreg [dreg:$0xa]  }
0xba: {  	s14 =	sadd.s32 $0xC80, s30;
	s0 =	rddreg [dreg:$0xb];
	[sflag:s26] =	ssyncadd.s32 $0xFFFFFF38  }
0xbb: {  	[tilespmem:s31], [sflag:$0x2] =	stream.indirect.gather [hbm4b:s6+s7], $0x80, s20, s7, $0xb8;
	[tilespmem:$0x1F700] =	vst v63  }
0xbc: {  	[hbm:s14], [sflag:s0] =	dma.local [spmem:s24], $0xC80  }
0xbd: {  	s14 =	simm.s32 $0x6  }
0xbe: {  	_ =	swait.ge [sflag:s14], $0xC80  }
0xbf: {  	[sflag:s14] =	ssyncset.done $0x0  }
0xc0: {  	s3 =	simm.s32 $0x3;
	[sflag:s14] =	ssyncadd.s32 $0xFFFFF380  }
0xc1: {  	_ =	swait.ge [sflag:s3], $0x6400  }
0xc2: {  	[sflag:s3] =	ssyncset.done $0x0  }
0xc3: {  	[sflag:s3] =	ssyncadd.s32 $0xFFFF9C00  }
0xc4: {  	[spmem:s28] =	stream.linear.scatter [tilespmem:s11], [sflag:$0x4], $0x6400, $0x38;
	[tilespmem:$0x1F700] =	vst v63  }
0xc5: {  	_ =	swait.ge [sflag:s18], $0x6400  }
0xc6: {  	[sflag:s18] =	ssyncset.done $0x0  }
0xc7: {  	[sflag:s18] =	ssyncadd.s32 $0xFFFF9C00  }
0xc8: {  	[tilespmem:s10], [sflag:$0x8] =	stream.linear.gather [hbm4b:s23+s8], $0xC8, $0x38;
	[tilespmem:$0x1F700] =	vst v63  }
0xc9: {  	_ =	swait.ge [sflag:s26], $0xC8  }
0xca: {  	[sflag:s26] =	ssyncset.done $0x0  }
0xcb: {  	[sflag:s26] =	ssyncadd.s32 $0xFFFFFF38  }
0xcc: {  	[tilespmem:s11], [sflag:$0x3] =	stream.indirect.gather [hbm4b:s6+s7], $0x80, s10, s7, $0xb8;
	[tilespmem:$0x1F700] =	vst v63  }
0xcd: {  	s3 =	sadd.s32 $0x1900, s30;
	s10 =	simm.s32 $0x7  }
0xce: {  	[hbm:s3], [sflag:s4] =	dma.local [spmem:s17], $0xC80  }
0xcf: {  	_ =	swait.ge [sflag:s10], $0xC80  }
0xd0: {  	[sflag:s10] =	ssyncset.done $0x0  }
0xd1: {  	[sflag:s10] =	ssyncadd.s32 $0xFFFFF380  }
0xd2: {  	_ =	swait.ge [sflag:s5], $0x6400  }
0xd3: {  	[sflag:s5] =	ssyncset.done $0x0  }
0xd4: {  	[sflag:s5] =	ssyncadd.s32 $0xFFFF9C00  }
0xd5: {  	[spmem:s9] =	stream.linear.scatter [tilespmem:s1], [sflag:$0x5], $0x6400, $0x38;
	[tilespmem:$0x1F700] =	vst v63  }
0xd6: {  	_ =	swait.ge [sflag:s13], $0x6400  }
0xd7: {  	[sflag:s13] =	ssyncset.done $0x0  }
0xd8: {  	s9 =	sshrl.u32 s22, $0x3;
	s11 =	rddreg [dreg:$0x1]  }
0xd9: {  	[sflag:s13] =	ssyncadd.s32 $0xFFFF9C00;
	s3 =	sadd.s32 s11, s9  }
0xda: {  	[tilespmem:s8], [sflag:$0x8] =	stream.linear.gather [hbm4b:s3+s8], $0xC8, $0x38;
	[tilespmem:$0x1F700] =	vst v63  }
0xdb: {  	_ =	swait.ge [sflag:s26], $0xC8  }
0xdc: {  	[sflag:s26] =	ssyncset.done $0x0  }
0xdd: {  	s13 =	sadd.s32 $0x2580, s30;
	[sflag:s26] =	ssyncadd.s32 $0xFFFFFF38  }
0xde: {  	[tilespmem:s1], [sflag:$0x1] =	stream.indirect.gather [hbm4b:s6+s7], $0x80, s8, s7, $0xb8;
	[tilespmem:$0x1F700] =	vst v63  }
0xdf: {  	[hbm:s13], [sflag:s0] =	dma.local [spmem:s24], $0xC80  }
0xe0: {  	_ =	swait.ge [sflag:s14], $0xC80  }
0xe1: {  	[sflag:s14] =	ssyncset.done $0x0  }
0xe2: {  	[sflag:s14] =	ssyncadd.s32 $0xFFFFF380  }
0xe3: {  	_ =	swait.ge [sflag:s12], $0x6400  }
0xe4: {  	[sflag:s12] =	ssyncset.done $0x0  }
0xe5: {  	[sflag:s12] =	ssyncadd.s32 $0xFFFF9C00  }
0xe6: {  	[spmem:s28] =	stream.linear.scatter [tilespmem:s31], [sflag:$0x4], $0x6400, $0x38;
	[tilespmem:$0x1F700] =	vst v63  }
0xe7: {  	s12 =	rddreg [dreg:$0xc];
	_ =	swait.ge [sflag:s18], $0x6400  }
0xe8: {  	[sflag:s18] =	ssyncset.done $0x0  }
0xe9: {  	[sflag:s18] =	ssyncadd.s32 $0xFFFF9C00  }
0xea: {  	[tilespmem:s20], [sflag:$0x8] =	stream.linear.gather [hbm4b:s21+s8], $0xC8, $0x38;
	[tilespmem:$0x1F700] =	vst v63  }
0xeb: {  	_ =	swait.ge [sflag:s26], $0xC8  }
0xec: {  	s2 =	sadd.s32 $0x4B00, s2;
	[sflag:s26] =	ssyncset.done $0x0  }
0xed: {  	p1 =	sne.s32 s2, $0x5DC00;
	s28 =	sadd.s32 $0x3200, s30;
	[sflag:s26] =	ssyncadd.s32 $0xFFFFFF38  }
0xee: {  	[tilespmem:s31], [sflag:$0x2] =	stream.indirect.gather [hbm4b:s6+s7], $0x80, s20, s7, $0xb8;
	[tilespmem:$0x1F700] =	vst v63  }
0xef: {  	[hbm:s28], [sflag:s4] =	dma.local [spmem:s17], $0xC80  }
.Ltmp0:
0xf0: {  	s29 =	sadd.s32 $0x96, s29;
	_ =	swait.ge [sflag:s10], $0xC80;
	(pc) =	sbr.rel @p1 .LBB2_2-.Ltmp0, $4  }
0xf1: {  	s15 =	sadd.s32 $0x96, s15;
	p0 =	por p2, p2;
	[sflag:s10] =	ssyncset.done $0x0  }
0xf2: {  	s25 =	sadd.s32 $0x96, s25;
	s31 =	simm.s32 $0x3;
	[sflag:s10] =	ssyncadd.s32 $0xFFFFF380  }
0xf3: {  	s23 =	sadd.s32 $0x96, s23;
	s22 =	sadd.s32 $0x4B0, s22;
	_ =	swait.ge [sflag:s31], $0x6400  }
0xf4: {  	s30 =	simm.s32 @!p0 $0x5;
	s21 =	sadd.s32 $0x96, s21;
	[sflag:s31] =	ssyncset.done $0x0  }
0xf5: {  	s14 =	simm.s32 $0x3  }
0xf6: {  	s20 =	simm.s32 $0xCB00;
	s8 =	rddreg [dreg:$0x9];
	[sflag:s14] =	ssyncadd.s32 $0xFFFF9C00  }
0xf7: {  	[spmem:s8] =	stream.linear.scatter [tilespmem:s20], [sflag:$0x5], $0x6400, $0x38;
	[tilespmem:$0x1F700] =	vst v63  }
0xf8: {  	_ =	swait.ge @!p0 [sflag:s30], $0x6400  }
0xf9: {  	[sflag:s30] =	ssyncset.done @!p0 $0x0  }
0xfa: {  	s10 =	simm.s32 $0x200;
	s4 =	simm.s32 $0x0;
	[sflag:s30] =	ssyncadd.s32 @!p0 $0xFFFF9C00  }
0xfb: {  	[tilespmem:s10], [sflag:$0x8] =	stream.linear.gather [hbm4b:s29+s4], $0xC8, $0x38;
	[tilespmem:$0x1F700] =	vst v63  }
0xfc: {  	_ =	swait.ge [sflag:s26], $0xC8  }
0xfd: {  	[sflag:s26] =	ssyncset.done $0x0  }
0xfe: {  	s7 =	simm.s32 $0xC8;
	[sflag:s26] =	ssyncadd.s32 $0xFFFFFF38  }
0xff: {  	s0 =	simm.s32 @!p0 $0x6;
	s2 =	sshrl.u32 @!p0 s8, $0x3;
	s1 =	rddreg [dreg:$0x0]  }
0x100: {  	[tilespmem:s20], [sflag:$0x3] =	stream.indirect.gather [hbm4b:s1+s7], $0x80, s10, s7, $0xb8;
	[tilespmem:$0x1F700] =	vst v63  }
0x101: {  	[hbm:s16], [sflag:s19] =	dma.local @!p0 [spmem:s2], $0xC80  }
0x102: {  	_ =	swait.ge @!p0 [sflag:s0], $0xC80  }
0x103: {  	[sflag:s0] =	ssyncset.done @!p0 $0x0  }
0x104: {  	s11 =	simm.s32 $0x1;
	[sflag:s0] =	ssyncadd.s32 @!p0 $0xFFFFF380  }
0x105: {  	_ =	swait.ge [sflag:s11], $0x6400  }
0x106: {  	s5 =	simm.s32 $0x300;
	[sflag:s11] =	ssyncset.done $0x0  }
0x107: {  	s9 =	simm.s32 $0x4;
	s6 =	rddreg [dreg:$0x6];
	[sflag:s11] =	ssyncadd.s32 $0xFFFF9C00  }
0x108: {  	[spmem:s6] =	stream.linear.scatter [tilespmem:s5], [sflag:$0x4], $0x6400, $0x38;
	[tilespmem:$0x1F700] =	vst v63  }
0x109: {  	_ =	swait.ge [sflag:s9], $0x6400  }
0x10a: {  	[sflag:s9] =	ssyncset.done $0x0  }
0x10b: {  	[sflag:s9] =	ssyncadd.s32 $0xFFFF9C00  }
0x10c: {  	[tilespmem:s4], [sflag:$0x8] =	stream.linear.gather [hbm4b:s15+s4], $0xC8, $0x38;
	[tilespmem:$0x1F700] =	vst v63  }
0x10d: {  	_ =	swait.ge [sflag:s26], $0xC8  }
0x10e: {  	s3 =	rddreg [dreg:$0x5]  }
0x10f: {  	s2 =	simm.s32 @!p0 $0x7;
	[sflag:s26] =	ssyncset.done $0x0;
	s28 =	rddreg [dreg:$0x7]  }
0x110: {  	s17 =	rddreg [dreg:$0x8];
	[sflag:s26] =	ssyncadd.s32 $0xFFFFFF38;
	s0 =	sadd.s32 s12, s3  }
0x111: {  	[tilespmem:s5], [sflag:$0x1] =	stream.indirect.gather [hbm4b:s1+s7], $0x80, s4, s7, $0xb8;
	[tilespmem:$0x1F700] =	vst v63  }
0x112: {  	[hbm:s0], [sflag:s17] =	dma.local [spmem:s28], $0xC80  }
0x113: {  	_ =	swait.ge @!p0 [sflag:s2], $0xC80  }
0x114: {  	[sflag:s2] =	ssyncset.done @!p0 $0x0  }
0x115: {  	s24 =	simm.s32 $0x2;
	[sflag:s2] =	ssyncadd.s32 @!p0 $0xFFFFF380  }
0x116: {  	_ =	swait.ge [sflag:s24], $0x6400  }
0x117: {  	[sflag:s24] =	ssyncset.done $0x0  }
0x118: {  	s19 =	simm.s32 $0x6700;
	s12 =	simm.s32 $0x5;
	[sflag:s24] =	ssyncadd.s32 $0xFFFF9C00  }
0x119: {  	[spmem:s8] =	stream.linear.scatter [tilespmem:s19], [sflag:$0x5], $0x6400, $0x38;
	[tilespmem:$0x1F700] =	vst v63  }
0x11a: {  	_ =	swait.ge [sflag:s12], $0x6400  }
0x11b: {  	[sflag:s12] =	ssyncset.done $0x0  }
0x11c: {  	s15 =	simm.s32 $0x100;
	[sflag:s12] =	ssyncadd.s32 $0xFFFF9C00  }
0x11d: {  	[tilespmem:s15], [sflag:$0x8] =	stream.linear.gather [hbm4b:s25+s4], $0xC8, $0x38;
	[tilespmem:$0x1F700] =	vst v63  }
0x11e: {  	_ =	swait.ge [sflag:s26], $0xC8  }
0x11f: {  	[sflag:s26] =	ssyncset.done $0x0;
	s18 =	rddreg [dreg:$0xa]  }
0x120: {  	s13 =	sadd.s32 $0xC80, s0;
	s25 =	rddreg [dreg:$0xb];
	[sflag:s26] =	ssyncadd.s32 $0xFFFFFF38  }
0x121: {  	[tilespmem:s19], [sflag:$0x2] =	stream.indirect.gather [hbm4b:s1+s7], $0x80, s15, s7, $0xb8;
	[tilespmem:$0x1F700] =	vst v63  }
0x122: {  	[hbm:s13], [sflag:s25] =	dma.local [spmem:s18], $0xC80  }
0x123: {  	s13 =	simm.s32 $0x6  }
0x124: {  	_ =	swait.ge [sflag:s13], $0xC80  }
0x125: {  	[sflag:s13] =	ssyncset.done $0x0  }
0x126: {  	[sflag:s13] =	ssyncadd.s32 $0xFFFFF380  }
0x127: {  	_ =	swait.ge [sflag:s14], $0x6400  }
0x128: {  	[sflag:s14] =	ssyncset.done $0x0  }
0x129: {  	[sflag:s14] =	ssyncadd.s32 $0xFFFF9C00  }
0x12a: {  	[spmem:s6] =	stream.linear.scatter [tilespmem:s20], [sflag:$0x4], $0x6400, $0x38;
	[tilespmem:$0x1F700] =	vst v63  }
0x12b: {  	_ =	swait.ge [sflag:s9], $0x6400  }
0x12c: {  	[sflag:s9] =	ssyncset.done $0x0  }
0x12d: {  	[sflag:s9] =	ssyncadd.s32 $0xFFFF9C00  }
0x12e: {  	[tilespmem:s10], [sflag:$0x8] =	stream.linear.gather [hbm4b:s23+s4], $0xC8, $0x38;
	[tilespmem:$0x1F700] =	vst v63  }
0x12f: {  	_ =	swait.ge [sflag:s26], $0xC8  }
0x130: {  	[sflag:s26] =	ssyncset.done $0x0  }
0x131: {  	s16 =	sadd.s32 $0x1900, s0;
	[sflag:s26] =	ssyncadd.s32 $0xFFFFFF38  }
0x132: {  	[tilespmem:s20], [sflag:$0x3] =	stream.indirect.gather [hbm4b:s1+s7], $0x80, s10, s7, $0xb8;
	[tilespmem:$0x1F700] =	vst v63  }
0x133: {  	[hbm:s16], [sflag:s17] =	dma.local [spmem:s28], $0xC80  }
0x134: {  	s16 =	simm.s32 $0x7  }
0x135: {  	_ =	swait.ge [sflag:s16], $0xC80  }
0x136: {  	[sflag:s16] =	ssyncset.done $0x0  }
0x137: {  	[sflag:s16] =	ssyncadd.s32 $0xFFFFF380  }
0x138: {  	_ =	swait.ge [sflag:s11], $0x6400  }
0x139: {  	[sflag:s11] =	ssyncset.done $0x0  }
0x13a: {  	[sflag:s11] =	ssyncadd.s32 $0xFFFF9C00  }
0x13b: {  	[spmem:s8] =	stream.linear.scatter [tilespmem:s5], [sflag:$0x5], $0x6400, $0x38;
	[tilespmem:$0x1F700] =	vst v63  }
0x13c: {  	_ =	swait.ge [sflag:s12], $0x6400  }
0x13d: {  	[sflag:s12] =	ssyncset.done $0x0  }
0x13e: {  	s23 =	sshrl.u32 s22, $0x3;
	s3 =	rddreg [dreg:$0x1]  }
0x13f: {  	[sflag:s12] =	ssyncadd.s32 $0xFFFF9C00;
	s2 =	sadd.s32 s3, s23  }
0x140: {  	[tilespmem:s4], [sflag:$0x8] =	stream.linear.gather [hbm4b:s2+s4], $0xC8, $0x38;
	[tilespmem:$0x1F700] =	vst v63  }
0x141: {  	_ =	swait.ge [sflag:s26], $0xC8  }
0x142: {  	[sflag:s26] =	ssyncset.done $0x0  }
0x143: {  	s29 =	sadd.s32 $0x2580, s0;
	[sflag:s26] =	ssyncadd.s32 $0xFFFFFF38  }
0x144: {  	[tilespmem:s5], [sflag:$0x1] =	stream.indirect.gather [hbm4b:s1+s7], $0x80, s4, s7, $0xb8;
	[tilespmem:$0x1F700] =	vst v63  }
0x145: {  	[hbm:s29], [sflag:s25] =	dma.local [spmem:s18], $0xC80  }
0x146: {  	_ =	swait.ge [sflag:s13], $0xC80  }
0x147: {  	[sflag:s13] =	ssyncset.done $0x0  }
0x148: {  	[sflag:s13] =	ssyncadd.s32 $0xFFFFF380  }
0x149: {  	_ =	swait.ge [sflag:s24], $0x6400  }
0x14a: {  	[sflag:s24] =	ssyncset.done $0x0  }
0x14b: {  	[sflag:s24] =	ssyncadd.s32 $0xFFFF9C00  }
0x14c: {  	[spmem:s6] =	stream.linear.scatter [tilespmem:s19], [sflag:$0x4], $0x6400, $0x38;
	[tilespmem:$0x1F700] =	vst v63  }
0x14d: {  	_ =	swait.ge [sflag:s9], $0x6400  }
0x14e: {  	[sflag:s9] =	ssyncset.done $0x0  }
0x14f: {  	[sflag:s9] =	ssyncadd.s32 $0xFFFF9C00  }
0x150: {  	[tilespmem:s15], [sflag:$0x8] =	stream.linear.gather [hbm4b:s21+s4], $0xC8, $0x38;
	[tilespmem:$0x1F700] =	vst v63  }
0x151: {  	_ =	swait.ge [sflag:s26], $0xC8  }
0x152: {  	[sflag:s26] =	ssyncset.done $0x0  }
0x153: {  	s0 =	sadd.s32 $0x3200, s0;
	[sflag:s26] =	ssyncadd.s32 $0xFFFFFF38  }
0x154: {  	[tilespmem:s19], [sflag:$0x2] =	stream.indirect.gather [hbm4b:s1+s7], $0x80, s15, s7, $0xb8;
	[tilespmem:$0x1F700] =	vst v63  }
0x155: {  	[hbm:s0], [sflag:s17] =	dma.local [spmem:s28], $0xC80  }
0x156: {  	_ =	swait.ge [sflag:s16], $0xC80  }
0x157: {  	[sflag:s16] =	ssyncset.done $0x0  }
0x158: {  	[sflag:s16] =	ssyncadd.s32 $0xFFFFF380  }
0x159: {  	_ =	swait.ge [sflag:s14], $0x6400  }
0x15a: {  	[sflag:s14] =	ssyncset.done $0x0  }
0x15b: {  	[sflag:s14] =	ssyncadd.s32 $0xFFFF9C00  }
0x15c: {  	[spmem:s8] =	stream.linear.scatter [tilespmem:s20], [sflag:$0x5], $0x6400, $0x38;
	[tilespmem:$0x1F700] =	vst v63  }
0x15d: {  	_ =	swait.ge [sflag:s12], $0x6400  }
0x15e: {  	[sflag:s12] =	ssyncset.done $0x0  }
0x15f: {  	s30 =	rddreg [dreg:$0xf];
	[sflag:s12] =	ssyncadd.s32 $0xFFFF9C00  }
0x160: {  	[tilespmem:s10], [sflag:$0x8] =	stream.linear.gather [hbm4b:s30+s4], $0xC8, $0x38;
	[tilespmem:$0x1F700] =	vst v63  }
0x161: {  	_ =	swait.ge [sflag:s26], $0xC8  }
0x162: {  	[sflag:s26] =	ssyncset.done $0x0  }
0x163: {  	s31 =	rddreg [dreg:$0x10];
	[sflag:s26] =	ssyncadd.s32 $0xFFFFFF38  }
0x164: {  	[tilespmem:s20], [sflag:$0x3] =	stream.indirect.gather [hbm4b:s1+s7], $0x80, s10, s7, $0xb8;
	[tilespmem:$0x1F700] =	vst v63  }
0x165: {  	[hbm:s31], [sflag:s25] =	dma.local [spmem:s18], $0xC80  }
0x166: {  	_ =	swait.ge [sflag:s13], $0xC80  }
0x167: {  	[sflag:s13] =	ssyncset.done $0x0  }
0x168: {  	[sflag:s13] =	ssyncadd.s32 $0xFFFFF380  }
0x169: {  	_ =	swait.ge [sflag:s11], $0x6400  }
0x16a: {  	[sflag:s11] =	ssyncset.done $0x0  }
0x16b: {  	[sflag:s11] =	ssyncadd.s32 $0xFFFF9C00  }
0x16c: {  	[spmem:s6] =	stream.linear.scatter [tilespmem:s5], [sflag:$0x4], $0x6400, $0x38;
	[tilespmem:$0x1F700] =	vst v63  }
0x16d: {  	_ =	swait.ge [sflag:s9], $0x6400  }
0x16e: {  	[sflag:s9] =	ssyncset.done $0x0  }
0x16f: {  	s2 =	rddreg [dreg:$0x11];
	[sflag:s9] =	ssyncadd.s32 $0xFFFF9C00  }
0x170: {  	[tilespmem:s4], [sflag:$0x8] =	stream.linear.gather [hbm4b:s2+s4], $0xC8, $0x38;
	[tilespmem:$0x1F700] =	vst v63  }
0x171: {  	_ =	swait.ge [sflag:s26], $0xC8  }
0x172: {  	[sflag:s26] =	ssyncset.done $0x0  }
0x173: {  	s3 =	rddreg [dreg:$0x12];
	[sflag:s26] =	ssyncadd.s32 $0xFFFFFF38  }
0x174: {  	[tilespmem:s5], [sflag:$0x1] =	stream.indirect.gather [hbm4b:s1+s7], $0x80, s4, s7, $0xb8;
	[tilespmem:$0x1F700] =	vst v63  }
0x175: {  	[hbm:s3], [sflag:s17] =	dma.local [spmem:s28], $0xC80  }
0x176: {  	_ =	swait.ge [sflag:s16], $0xC80  }
0x177: {  	[sflag:s16] =	ssyncset.done $0x0  }
0x178: {  	[sflag:s16] =	ssyncadd.s32 $0xFFFFF380  }
0x179: {  	_ =	swait.ge [sflag:s24], $0x6400  }
0x17a: {  	[sflag:s24] =	ssyncset.done $0x0  }
0x17b: {  	[sflag:s24] =	ssyncadd.s32 $0xFFFF9C00  }
0x17c: {  	[spmem:s8] =	stream.linear.scatter [tilespmem:s19], [sflag:$0x5], $0x6400, $0x38;
	[tilespmem:$0x1F700] =	vst v63  }
0x17d: {  	_ =	swait.ge [sflag:s12], $0x6400  }
0x17e: {  	[sflag:s12] =	ssyncset.done $0x0  }
0x17f: {  	s10 =	rddreg [dreg:$0x13];
	[sflag:s12] =	ssyncadd.s32 $0xFFFF9C00  }
0x180: {  	[tilespmem:s15], [sflag:$0x8] =	stream.linear.gather [hbm4b:s10+s4], $0xC8, $0x38;
	[tilespmem:$0x1F700] =	vst v63  }
0x181: {  	_ =	swait.ge [sflag:s26], $0xC8  }
0x182: {  	[sflag:s26] =	ssyncset.done $0x0  }
0x183: {  	s21 =	rddreg [dreg:$0x14];
	[sflag:s26] =	ssyncadd.s32 $0xFFFFFF38  }
0x184: {  	[tilespmem:s19], [sflag:$0x2] =	stream.indirect.gather [hbm4b:s1+s7], $0x80, s15, s7, $0xb8;
	[tilespmem:$0x1F700] =	vst v63  }
0x185: {  	[hbm:s21], [sflag:s25] =	dma.local [spmem:s18], $0xC80  }
0x186: {  	_ =	swait.ge [sflag:s13], $0xC80  }
0x187: {  	[sflag:s13] =	ssyncset.done $0x0  }
0x188: {  	[sflag:s13] =	ssyncadd.s32 $0xFFFFF380  }
0x189: {  	_ =	swait.ge [sflag:s14], $0x6400  }
0x18a: {  	[sflag:s14] =	ssyncset.done $0x0  }
0x18b: {  	[sflag:s14] =	ssyncadd.s32 $0xFFFF9C00  }
0x18c: {  	[spmem:s6] =	stream.linear.scatter [tilespmem:s20], [sflag:$0x4], $0x6400, $0x38;
	[tilespmem:$0x1F700] =	vst v63  }
0x18d: {  	_ =	swait.ge [sflag:s9], $0x6400  }
0x18e: {  	[sflag:s9] =	ssyncset.done $0x0  }
0x18f: {  	s22 =	rddreg [dreg:$0x15];
	[sflag:s9] =	ssyncadd.s32 $0xFFFF9C00  }
0x190: {  	[hbm:s22], [sflag:s17] =	dma.local [spmem:s28], $0xC80  }
0x191: {  	_ =	swait.ge [sflag:s16], $0xC80  }
0x192: {  	[sflag:s16] =	ssyncset.done $0x0  }
0x193: {  	[sflag:s16] =	ssyncadd.s32 $0xFFFFF380  }
0x194: {  	_ =	swait.ge [sflag:s11], $0x6400  }
0x195: {  	[sflag:s11] =	ssyncset.done $0x0  }
0x196: {  	[sflag:s11] =	ssyncadd.s32 $0xFFFF9C00  }
0x197: {  	[spmem:s8] =	stream.linear.scatter [tilespmem:s5], [sflag:$0x5], $0x6400, $0x38;
	[tilespmem:$0x1F700] =	vst v63  }
0x198: {  	_ =	swait.ge [sflag:s12], $0x6400  }
0x199: {  	[sflag:s12] =	ssyncset.done $0x0  }
0x19a: {  	s23 =	rddreg [dreg:$0x16];
	[sflag:s12] =	ssyncadd.s32 $0xFFFF9C00  }
0x19b: {  	[hbm:s23], [sflag:s25] =	dma.local [spmem:s18], $0xC80  }
0x19c: {  	_ =	swait.ge [sflag:s13], $0xC80  }
0x19d: {  	[sflag:s13] =	ssyncset.done $0x0  }
0x19e: {  	[sflag:s13] =	ssyncadd.s32 $0xFFFFF380  }
0x19f: {  	_ =	swait.ge [sflag:s24], $0x6400  }
0x1a0: {  	[sflag:s24] =	ssyncset.done $0x0  }
0x1a1: {  	[sflag:s24] =	ssyncadd.s32 $0xFFFF9C00  }
0x1a2: {  	[spmem:s6] =	stream.linear.scatter [tilespmem:s19], [sflag:$0x4], $0x6400, $0x38;
	[tilespmem:$0x1F700] =	vst v63  }
0x1a3: {  	_ =	swait.ge [sflag:s9], $0x6400  }
0x1a4: {  	[sflag:s9] =	ssyncset.done $0x0  }
0x1a5: {  	s29 =	rddreg [dreg:$0x17];
	[sflag:s9] =	ssyncadd.s32 $0xFFFF9C00  }
0x1a6: {  	[hbm:s29], [sflag:s17] =	dma.local [spmem:s28], $0xC80  }
0x1a7: {  	_ =	swait.ge [sflag:s13], $0xC80  }
0x1a8: {  	[sflag:s13] =	ssyncset.done $0x0  }
0x1a9: {  	[sflag:s13] =	ssyncadd.s32 $0xFFFFF380  }
0x1aa: {  	_ =	swait.ge [sflag:s16], $0xC80  }
0x1ab: {  	s30 =	rddreg [dreg:$0x1f]  }
0x1ac: {  	s31 =	rddreg [dreg:$0x18];
	s1 =	sadd.s32 $0x1, s30  }
0x1ad: {  	p0 =	sne.s32 s1, s31  }
.Ltmp1:
0x1ae: {  	_ = 	snop;
	(pc) =	sbr.rel @p0 .LBB2_1-.Ltmp1, $3  }
0x1af: {  	_ =	sdelay $0x1  }
0x1b0: {  	[sflag:s16] =	ssyncset.done $0x0  }
0x1b1: {  	[sflag:s16] =	ssyncadd.s32 $0xFFFFF380  }
0x1b2: {  	_ =	sfence.sel $0x180000  }
0x1b3: {  	[bflag:$0x0] =	sbarrier.arrive $0xFFFF  }
0x1b4: {  	_ =	strace $0x90000047  }
0x1b5: {  	s0 =	stileid.u32;
	[bflag:$0x2] =	sbarrier.arrive $0xFFFF  }
0x1b6: {  	p0 =	sne.s32 s0, $0x0;
	s0 =	rddreg [dreg:$0x4]  }
0x1b7: {  	s0 =	sadd.s32 @!p0 $0x100000, s0  }
0x1b8: {  	[sflag:s0] =	ssyncadd.tile.s32 @!p0 $0x1;
	_ =	shalt  }
.Lfunc_end2:
_tile_overlayer_lowered:
.L_overlay_start_2:
0x1b9: {  	(tag) =	ssettag $0x2  }
0x1ba: {  	s0 =	rddreg [dreg:$0x0];
	s2 =	stileid.u32  }
0x1bb: {  	s1 =	rddreg [dreg:$0x1];
	p0 =	sne.s32 s2, $0x0  }
0x1bc: {  	s3 =	rddreg [dreg:$0x2];
	[bflag:$0x3] =	sbarrier.arrive $0xFFFF;
	s2 =	simm.s32 @!p0 $0x1C08  }
0x1bd: {  	[timem:s3], [sflag:s2] =	dma.local @!p0 [hbm:s0], s1  }
0x1be: {  	s0 =	simm.s32 @!p0 $0x8  }
0x1bf: {  	_ =	swait.ge @!p0 [sflag:s0], s1  }
0x1c0: {  	s1 =	ssub.s32 @!p0 $0x0, s1;
	[sflag:s0] =	ssyncset.done @!p0 $0x0  }
0x1c1: {  	[sflag:s0] =	ssyncadd.s32 @!p0 s1  }
0x1c2: {  	[bflag:$0x3] =	sbarrier.arrive $0xFFFF  }
0x1c3: {  	_ =	shalt  }

</sc_bundles>
